<compile_context>
chip_gen: v7x
topology: tpu7x:2x2x1
jax: 0.10.2.dev20260603
libtpu: 0.0.44.dev20260713+nightly
codegen_flags: <defaults>
</compile_context>

<pallas_src>
import functools

import jax
import jax.numpy as jnp
from jax import lax
from jax.experimental import pallas as pl
from jax.experimental.pallas import tpu as pltpu
from jax.experimental.pallas import tpu_sc as plsc

NUM_CORES = 2
NUM_SUBCORES = 16
NUM_WORKERS = NUM_CORES * NUM_SUBCORES

CHUNK = 640
STREAM = 128


@functools.partial(jax.jit, static_argnums=(2, 3))
def _sc_gather(flat_ids, table, b_total, d):
    b_per_w = b_total // NUM_WORKERS
    n_chunks = b_per_w // CHUNK
    n_pairs = n_chunks // 2
    n_streams = CHUNK // STREAM
    mesh = plsc.VectorSubcoreMesh(core_axis_name="c", subcore_axis_name="s")

    @functools.partial(
        pl.kernel,
        mesh=mesh,
        out_type=jax.ShapeDtypeStruct((b_total, d), jnp.float32),
        scratch_types=[
            pltpu.VMEM((b_per_w // STREAM, STREAM), jnp.int32),
            pltpu.VMEM((CHUNK, d), jnp.float32),
            pltpu.VMEM((CHUNK, d), jnp.float32),
            pltpu.SemaphoreType.DMA,
            pltpu.SemaphoreType.DMA,
            pltpu.SemaphoreType.DMA,
            pltpu.SemaphoreType.DMA,
        ],
        compiler_params=pltpu.CompilerParams(use_tc_tiling_on_sc=False),
    )
    def k(ids_hbm, table_hbm, out_hbm, ids_v, rows0, rows1, g0, g1, o0, o1):
        wid = lax.axis_index("s") * NUM_CORES + lax.axis_index("c")
        base = wid * b_per_w
        rows_per_w = b_per_w // STREAM
        pltpu.sync_copy(ids_hbm.at[pl.ds(wid * rows_per_w, rows_per_w)], ids_v)

        def fire(slot, ch, gsem):
            for j in range(n_streams):
                pltpu.async_copy(
                    table_hbm.at[ids_v.at[ch * n_streams + j]],
                    slot.at[pl.ds(j * STREAM, STREAM)],
                    gsem,
                )

        def drain(slot, ch, gsem):
            for j in range(n_streams):
                pltpu.make_async_copy(
                    table_hbm.at[ids_v.at[ch * n_streams + j]],
                    slot.at[pl.ds(j * STREAM, STREAM)],
                    gsem,
                ).wait()

        def store(slot, ch, osem):
            pltpu.async_copy(
                slot, out_hbm.at[pl.ds(base + ch * CHUNK, CHUNK)], osem
            )

        def wait_store(slot, ch, osem):
            pltpu.make_async_copy(
                slot, out_hbm.at[pl.ds(base + ch * CHUNK, CHUNK)], osem
            ).wait()

        def body(i, carry):
            c0 = 2 * i
            c1 = 2 * i + 1

            @pl.when(i > 0)
            def _():
                wait_store(rows0, c0 - 2, o0)

            fire(rows0, c0, g0)

            @pl.when(i > 0)
            def _():
                wait_store(rows1, c1 - 2, o1)

            fire(rows1, c1, g1)
            drain(rows0, c0, g0)
            store(rows0, c0, o0)
            drain(rows1, c1, g1)
            store(rows1, c1, o1)
            return carry

        lax.fori_loop(0, n_pairs, body, 0)
        wait_store(rows0, n_chunks - 2, o0)
        wait_store(rows1, n_chunks - 1, o1)

    return k(flat_ids, table)


SLAB = 128


@jax.jit
def _sc_transpose(table_t, tail_t):
    d, v = table_t.shape
    n_slabs = v // SLAB
    per_w = (n_slabs + NUM_WORKERS - 1) // NUM_WORKERS
    mesh = plsc.VectorSubcoreMesh(core_axis_name="c", subcore_axis_name="s")

    @functools.partial(
        pl.kernel,
        mesh=mesh,
        out_type=jax.ShapeDtypeStruct((v // 2, 2 * d), jnp.float32),
        scratch_types=[
            pltpu.VMEM((d, SLAB + 1), jnp.float32),
            pltpu.VMEM((d, SLAB + 1), jnp.float32),
            pltpu.VMEM((SLAB // 2, 2 * d + 1), jnp.float32),
            pltpu.VMEM((SLAB // 2, 2 * d + 1), jnp.float32),
            pltpu.VMEM((d, SLAB // 2), jnp.float32),
            pltpu.SemaphoreType.DMA,
            pltpu.SemaphoreType.DMA,
            pltpu.SemaphoreType.DMA,
            pltpu.SemaphoreType.DMA,
        ],
        compiler_params=pltpu.CompilerParams(
            use_tc_tiling_on_sc=True, needs_layout_passes=False),
    )
    def tk(tt_hbm, tail_hbm, out_hbm, in0, in1, ot0, ot1, tbuf,
           gi0, gi1, go0, go1):
        wid = lax.axis_index("s") * NUM_CORES + lax.axis_index("c")
        iota16 = lax.iota(jnp.int32, 16)

        def slab_of(t):
            return wid + NUM_WORKERS * t

        def fire_in(buf, c, sem):
            pltpu.async_copy(
                tt_hbm.at[:, pl.ds(c * SLAB, SLAB)],
                buf.at[:, pl.ds(0, SLAB)], sem)

        def wait_in(buf, c, sem):
            pltpu.make_async_copy(
                tt_hbm.at[:, pl.ds(c * SLAB, SLAB)],
                buf.at[:, pl.ds(0, SLAB)], sem).wait()

        alt64 = (iota16 & 1) * d
        rowv = [lax.shift_right_logical(iota16 + 16 * q, 1)
                for q in range(SLAB // 16)]

        def transpose(buf, obuf, n_kp):
            def col(j, carry):
                cvec = alt64 + j
                for q in range(n_kp // 16):
                    vv = buf[j, pl.ds(q * 16, 16)]
                    plsc.store_scatter(obuf, [rowv[q], cvec], vv)
                return carry
            lax.fori_loop(0, d, col, 0)

        def fire_out(obuf, c, sem):
            pltpu.async_copy(
                obuf.at[:, pl.ds(0, 2 * d)],
                out_hbm.at[pl.ds(c * (SLAB // 2), SLAB // 2)], sem)

        def wait_out(obuf, c, sem):
            pltpu.make_async_copy(
                obuf.at[:, pl.ds(0, 2 * d)],
                out_hbm.at[pl.ds(c * (SLAB // 2), SLAB // 2)], sem).wait()

        def body(i, carry):
            c0 = slab_of(2 * i)
            c1 = slab_of(2 * i + 1)

            @pl.when(c0 < n_slabs)
            def _():
                @pl.when(i > 0)
                def _():
                    wait_out(ot0, slab_of(2 * i - 2), go0)
                fire_in(in0, c0, gi0)

            @pl.when(c1 < n_slabs)
            def _():
                @pl.when(i > 0)
                def _():
                    wait_out(ot1, slab_of(2 * i - 1), go1)
                fire_in(in1, c1, gi1)

            @pl.when(c0 < n_slabs)
            def _():
                wait_in(in0, c0, gi0)
                transpose(in0, ot0, SLAB)
                fire_out(ot0, c0, go0)

            @pl.when(c1 < n_slabs)
            def _():
                wait_in(in1, c1, gi1)
                transpose(in1, ot1, SLAB)
                fire_out(ot1, c1, go1)
            return carry

        n_iter = (per_w + 1) // 2
        lax.fori_loop(0, n_iter, body, 0)

        last0 = slab_of(2 * n_iter - 2)
        last1 = slab_of(2 * n_iter - 1)

        @pl.when(last0 < n_slabs)
        def _():
            wait_out(ot0, last0, go0)

        @pl.when(last1 < n_slabs)
        def _():
            wait_out(ot1, last1, go1)

        @pl.when(wid == 0)
        def _():
            pltpu.sync_copy(tail_hbm, tbuf)
            transpose(tbuf, ot0, SLAB // 2)
            pltpu.sync_copy(
                ot0.at[pl.ds(0, SLAB // 4), pl.ds(0, 2 * d)],
                out_hbm.at[pl.ds(n_slabs * (SLAB // 2), SLAB // 4)])

    return tk(table_t, tail_t)


def kernel(token_ids, embeddings):
    b_total = token_ids.shape[0] * token_ids.shape[1]
    d = embeddings.shape[1]
    flat = token_ids.reshape(b_total // STREAM, STREAM).astype(jnp.int32)
    n_full = (embeddings.shape[0] // SLAB) * SLAB
    table_lin = _sc_transpose(embeddings.T, embeddings[n_full:].T)
    table2 = table_lin.reshape(embeddings.shape)
    out = _sc_gather(flat, table2, b_total, d)
    return out.reshape(token_ids.shape + (d,))

# --- scband reference (transcript-rebuilt; emitter-appended) ---
"""Pipeline reference for scband-embedding-49727131353103 (READ-ONLY COPY).

The authoritative reference and input builder live on the scoring server;
editing this copy changes nothing except your own understanding.
"""

import jax, jax.numpy as jnp
import numpy as np

NUM_EMBEDDINGS = 1000000
EMBEDDING_DIM = 64

def setup_inputs(seed: int = 0) -> dict:
    key = jax.random.key(seed)
    k1, k2 = jax.random.split(key)
    token_ids = jax.random.randint(k1, (16384, 50), 0, NUM_EMBEDDINGS, dtype=jnp.int64 if jax.config.jax_enable_x64 else jnp.int32)
    # trunc_normal init, std=1.0, clipped to [-3, 3]
    embeddings = jnp.clip(jax.random.normal(k2, (NUM_EMBEDDINGS, EMBEDDING_DIM), dtype=jnp.float32), -3.0, 3.0)
    return {"token_ids": token_ids, "embeddings": embeddings}

def reference(token_ids, embeddings):
    flat = token_ids.reshape(-1)
    gathered = jnp.take(embeddings, flat, axis=0)
    return gathered.reshape(token_ids.shape + (embeddings.shape[1],))

if __name__ == "__main__":
    import jax
    _d = setup_inputs()
    print(jax.jit(kernel)(*tuple(_d.values())))

</pallas_src>

<mosaic_0001>
#map = affine_map<(d0, d1) -> (0, 0)>
module attributes {stable_mosaic.version = 14 : i64} {
  func.func @tk(%arg0: i32, %arg1: i32, %arg2: memref<64x1000000xf32, #tpu.memory_space<hbm>>, %arg3: memref<64x64xf32, #tpu.memory_space<hbm>>, %arg4: memref<500000x128xf32, #tpu.memory_space<hbm>>, %arg5: memref<64x129xf32, #tpu.memory_space<vmem>>, %arg6: memref<64x129xf32, #tpu.memory_space<vmem>>, %arg7: memref<64x129xf32, #tpu.memory_space<vmem>>, %arg8: memref<64x129xf32, #tpu.memory_space<vmem>>, %arg9: memref<64x64xf32, #tpu.memory_space<vmem>>, %arg10: memref<!tpu.dma_semaphore, #tpu.memory_space<semaphore_mem>>, %arg11: memref<!tpu.dma_semaphore, #tpu.memory_space<semaphore_mem>>, %arg12: memref<!tpu.dma_semaphore, #tpu.memory_space<semaphore_mem>>, %arg13: memref<!tpu.dma_semaphore, #tpu.memory_space<semaphore_mem>>) attributes {dimension_semantics = [#tpu.dimension_semantics<core_parallel>, #tpu.dimension_semantics<subcore_parallel>], iteration_bounds = array<i64: 2, 16>, scalar_prefetch = 0 : i64, scratch_operands = 9 : i64, tpu.core_type = #tpu.core_type<sc_vector_subcore>, window_params = [{transform_indices = #map}, {transform_indices = #map}, {transform_indices = #map}]} {
    %mul3A = arith.constant 2 : i32
    %mul3A_0 = arith.muli %arg1, %mul3A : i32
    %add3A = arith.addi %mul3A_0, %arg0 : i32
    %iota3A = tpu.iota {dimensions = array<i32: 0>} : vector<16xi32>
    %and3A = arith.constant 1 : i32
    %and3A_1 = vector.broadcast %and3A : i32 to vector<16xi32>
    %and3A_2 = arith.andi %iota3A, %and3A_1 : vector<16xi32>
    %mul3A_3 = arith.constant 64 : i32
    %mul3A_4 = vector.broadcast %mul3A_3 : i32 to vector<16xi32>
    %mul3A_5 = arith.muli %and3A_2, %mul3A_4 : vector<16xi32>
    %add3A_6 = arith.constant 0 : i32
    %add3A_7 = vector.broadcast %add3A_6 : i32 to vector<16xi32>
    %add3A_8 = arith.addi %iota3A, %add3A_7 : vector<16xi32>
    %shift_right_logical3A = arith.constant 1 : i32
    %shift_right_logical3A_9 = vector.broadcast %shift_right_logical3A : i32 to vector<16xi32>
    %shift_right_logical3A_10 = arith.shrui %add3A_8, %shift_right_logical3A_9 : vector<16xi32>
    %add3A_11 = arith.constant 16 : i32
    %add3A_12 = vector.broadcast %add3A_11 : i32 to vector<16xi32>
    %add3A_13 = arith.addi %iota3A, %add3A_12 : vector<16xi32>
    %shift_right_logical3A_14 = arith.constant 1 : i32
    %shift_right_logical3A_15 = vector.broadcast %shift_right_logical3A_14 : i32 to vector<16xi32>
    %shift_right_logical3A_16 = arith.shrui %add3A_13, %shift_right_logical3A_15 : vector<16xi32>
    %add3A_17 = arith.constant 32 : i32
    %add3A_18 = vector.broadcast %add3A_17 : i32 to vector<16xi32>
    %add3A_19 = arith.addi %iota3A, %add3A_18 : vector<16xi32>
    %shift_right_logical3A_20 = arith.constant 1 : i32
    %shift_right_logical3A_21 = vector.broadcast %shift_right_logical3A_20 : i32 to vector<16xi32>
    %shift_right_logical3A_22 = arith.shrui %add3A_19, %shift_right_logical3A_21 : vector<16xi32>
    %add3A_23 = arith.constant 48 : i32
    %add3A_24 = vector.broadcast %add3A_23 : i32 to vector<16xi32>
    %add3A_25 = arith.addi %iota3A, %add3A_24 : vector<16xi32>
    %shift_right_logical3A_26 = arith.constant 1 : i32
    %shift_right_logical3A_27 = vector.broadcast %shift_right_logical3A_26 : i32 to vector<16xi32>
    %shift_right_logical3A_28 = arith.shrui %add3A_25, %shift_right_logical3A_27 : vector<16xi32>
    %add3A_29 = arith.constant 64 : i32
    %add3A_30 = vector.broadcast %add3A_29 : i32 to vector<16xi32>
    %add3A_31 = arith.addi %iota3A, %add3A_30 : vector<16xi32>
    %shift_right_logical3A_32 = arith.constant 1 : i32
    %shift_right_logical3A_33 = vector.broadcast %shift_right_logical3A_32 : i32 to vector<16xi32>
    %shift_right_logical3A_34 = arith.shrui %add3A_31, %shift_right_logical3A_33 : vector<16xi32>
    %add3A_35 = arith.constant 80 : i32
    %add3A_36 = vector.broadcast %add3A_35 : i32 to vector<16xi32>
    %add3A_37 = arith.addi %iota3A, %add3A_36 : vector<16xi32>
    %shift_right_logical3A_38 = arith.constant 1 : i32
    %shift_right_logical3A_39 = vector.broadcast %shift_right_logical3A_38 : i32 to vector<16xi32>
    %shift_right_logical3A_40 = arith.shrui %add3A_37, %shift_right_logical3A_39 : vector<16xi32>
    %add3A_41 = arith.constant 96 : i32
    %add3A_42 = vector.broadcast %add3A_41 : i32 to vector<16xi32>
    %add3A_43 = arith.addi %iota3A, %add3A_42 : vector<16xi32>
    %shift_right_logical3A_44 = arith.constant 1 : i32
    %shift_right_logical3A_45 = vector.broadcast %shift_right_logical3A_44 : i32 to vector<16xi32>
    %shift_right_logical3A_46 = arith.shrui %add3A_43, %shift_right_logical3A_45 : vector<16xi32>
    %add3A_47 = arith.constant 112 : i32
    %add3A_48 = vector.broadcast %add3A_47 : i32 to vector<16xi32>
    %add3A_49 = arith.addi %iota3A, %add3A_48 : vector<16xi32>
    %shift_right_logical3A_50 = arith.constant 1 : i32
    %shift_right_logical3A_51 = vector.broadcast %shift_right_logical3A_50 : i32 to vector<16xi32>
    %shift_right_logical3A_52 = arith.shrui %add3A_49, %shift_right_logical3A_51 : vector<16xi32>
    %scan3A = arith.constant 0 : i32
    %scan3A_53 = arith.constant 0 : i32
    %scan3A_54 = arith.constant 123 : i32
    %scan3A_55 = arith.addi %scan3A_53, %scan3A_54 : i32
    %scan3A_56 = arith.constant 1 : i32
    scf.for %scan3A_73 = %scan3A_53 to %scan3A_55 step %scan3A_56  : i32 {
      %mul3A_74 = arith.constant 2 : i32
      %mul3A_75 = arith.muli %mul3A_74, %scan3A_73 : i32
      %mul3A_76 = arith.constant 32 : i32
      %mul3A_77 = arith.muli %mul3A_76, %mul3A_75 : i32
      %add3A_78 = arith.addi %add3A, %mul3A_77 : i32
      %mul3A_79 = arith.constant 2 : i32
      %mul3A_80 = arith.muli %mul3A_79, %scan3A_73 : i32
      %add3A_81 = arith.constant 1 : i32
      %add3A_82 = arith.addi %mul3A_80, %add3A_81 : i32
      %mul3A_83 = arith.constant 32 : i32
      %mul3A_84 = arith.muli %mul3A_83, %add3A_82 : i32
      %add3A_85 = arith.addi %add3A, %mul3A_84 : i32
      %lt3A_86 = arith.constant 7812 : i32
      %lt3A_87 = arith.cmpi slt, %add3A_78, %lt3A_86 : i32
      %convert_element_type3A_88 = arith.extui %lt3A_87 : i1 to i32
      %cond3A_89 = arith.constant 0 : i32
      %cond3A_90 = arith.cmpi ne, %convert_element_type3A_88, %cond3A_89 : i32
      scf.if %cond3A_90 {
        %gt3A = arith.constant 0 : i32
        %gt3A_106 = arith.cmpi sgt, %scan3A_73, %gt3A : i32
        %convert_element_type3A_107 = arith.extui %gt3A_106 : i1 to i32
        %cond3A_108 = arith.constant 0 : i32
        %cond3A_109 = arith.cmpi ne, %convert_element_type3A_107, %cond3A_108 : i32
        scf.if %cond3A_109 {
          %mul3A_121 = arith.constant 2 : i32
          %mul3A_122 = arith.muli %mul3A_121, %scan3A_73 : i32
          %sub3A = arith.constant 2 : i32
          %sub3A_123 = arith.subi %mul3A_122, %sub3A : i32
          %mul3A_124 = arith.constant 32 : i32
          %mul3A_125 = arith.muli %mul3A_124, %sub3A_123 : i32
          %add3A_126 = arith.addi %add3A, %mul3A_125 : i32
          %mul3A_127 = arith.constant 64 : i32
          %mul3A_128 = arith.muli %add3A_126, %mul3A_127 : i32
          %dma_wait3A = arith.constant 0 : i32
          %dma_wait3A_129 = arith.constant 0 : i32
          %dma_wait3A_130 = tpu.memref_slice %arg7[%dma_wait3A, %dma_wait3A_129] : memref<64x129xf32, #tpu.memory_space<vmem>> -> memref<64x128xf32, #tpu.memory_space<vmem>>
          %dma_wait3A_131 = arith.constant 0 : i32
          %dma_wait3A_132 = tpu.memref_slice %arg4[%mul3A_128, %dma_wait3A_131] : memref<500000x128xf32, #tpu.memory_space<hbm>> -> memref<64x128xf32, #tpu.memory_space<hbm>>
          %dma_wait3A_133 = arith.constant 0 : i32
          %dma_wait3A_134 = tpu.memref_slice %arg4[%mul3A_128, %dma_wait3A_133] : memref<500000x128xf32, #tpu.memory_space<hbm>> -> memref<64x128xf32, #tpu.memory_space<hbm>>
          %dma_wait3A_135 = arith.constant 0 : i32
          %dma_wait3A_136 = arith.constant 0 : i32
          %dma_wait3A_137 = tpu.memref_slice %arg7[%dma_wait3A_135, %dma_wait3A_136] : memref<64x129xf32, #tpu.memory_space<vmem>> -> memref<64x128xf32, #tpu.memory_space<vmem>>
          tpu.wait_dma2 semaphore(%arg12 : memref<!tpu.dma_semaphore, #tpu.memory_space<semaphore_mem>>) src(%dma_wait3A_137 : memref<64x128xf32, #tpu.memory_space<vmem>>) dst(%dma_wait3A_134 : memref<64x128xf32, #tpu.memory_space<hbm>>)
        } else {
        }
        %mul3A_110 = arith.constant 128 : i32
        %mul3A_111 = arith.muli %add3A_78, %mul3A_110 : i32
        %dma_start3A = arith.constant 0 : i32
        %dma_start3A_112 = arith.constant 0 : i32
        %dma_start3A_113 = tpu.memref_slice %arg5[%dma_start3A, %dma_start3A_112] : memref<64x129xf32, #tpu.memory_space<vmem>> -> memref<64x128xf32, #tpu.memory_space<vmem>>
        %dma_start3A_114 = arith.constant 0 : i32
        %dma_start3A_115 = tpu.memref_slice %arg2[%dma_start3A_114, %mul3A_111] : memref<64x1000000xf32, #tpu.memory_space<hbm>> -> memref<64x128xf32, #tpu.memory_space<hbm>>
        %dma_start3A_116 = arith.constant 0 : i32
        %dma_start3A_117 = arith.constant 0 : i32
        %dma_start3A_118 = tpu.memref_slice %arg5[%dma_start3A_116, %dma_start3A_117] : memref<64x129xf32, #tpu.memory_space<vmem>> -> memref<64x128xf32, #tpu.memory_space<vmem>>
        %dma_start3A_119 = arith.constant 0 : i32
        %dma_start3A_120 = tpu.memref_slice %arg2[%dma_start3A_119, %mul3A_111] : memref<64x1000000xf32, #tpu.memory_space<hbm>> -> memref<64x128xf32, #tpu.memory_space<hbm>>
        tpu.enqueue_dma source(%dma_start3A_120 : memref<64x128xf32, #tpu.memory_space<hbm>>) target(%dma_start3A_118 : memref<64x128xf32, #tpu.memory_space<vmem>>) target_semaphore(%arg10 : memref<!tpu.dma_semaphore, #tpu.memory_space<semaphore_mem>>)
      } else {
      }
      %lt3A_91 = arith.constant 7812 : i32
      %lt3A_92 = arith.cmpi slt, %add3A_85, %lt3A_91 : i32
      %convert_element_type3A_93 = arith.extui %lt3A_92 : i1 to i32
      %cond3A_94 = arith.constant 0 : i32
      %cond3A_95 = arith.cmpi ne, %convert_element_type3A_93, %cond3A_94 : i32
      scf.if %cond3A_95 {
        %gt3A = arith.constant 0 : i32
        %gt3A_106 = arith.cmpi sgt, %scan3A_73, %gt3A : i32
        %convert_element_type3A_107 = arith.extui %gt3A_106 : i1 to i32
        %cond3A_108 = arith.constant 0 : i32
        %cond3A_109 = arith.cmpi ne, %convert_element_type3A_107, %cond3A_108 : i32
        scf.if %cond3A_109 {
          %mul3A_121 = arith.constant 2 : i32
          %mul3A_122 = arith.muli %mul3A_121, %scan3A_73 : i32
          %sub3A = arith.constant 1 : i32
          %sub3A_123 = arith.subi %mul3A_122, %sub3A : i32
          %mul3A_124 = arith.constant 32 : i32
          %mul3A_125 = arith.muli %mul3A_124, %sub3A_123 : i32
          %add3A_126 = arith.addi %add3A, %mul3A_125 : i32
          %mul3A_127 = arith.constant 64 : i32
          %mul3A_128 = arith.muli %add3A_126, %mul3A_127 : i32
          %dma_wait3A = arith.constant 0 : i32
          %dma_wait3A_129 = arith.constant 0 : i32
          %dma_wait3A_130 = tpu.memref_slice %arg8[%dma_wait3A, %dma_wait3A_129] : memref<64x129xf32, #tpu.memory_space<vmem>> -> memref<64x128xf32, #tpu.memory_space<vmem>>
          %dma_wait3A_131 = arith.constant 0 : i32
          %dma_wait3A_132 = tpu.memref_slice %arg4[%mul3A_128, %dma_wait3A_131] : memref<500000x128xf32, #tpu.memory_space<hbm>> -> memref<64x128xf32, #tpu.memory_space<hbm>>
          %dma_wait3A_133 = arith.constant 0 : i32
          %dma_wait3A_134 = tpu.memref_slice %arg4[%mul3A_128, %dma_wait3A_133] : memref<500000x128xf32, #tpu.memory_space<hbm>> -> memref<64x128xf32, #tpu.memory_space<hbm>>
          %dma_wait3A_135 = arith.constant 0 : i32
          %dma_wait3A_136 = arith.constant 0 : i32
          %dma_wait3A_137 = tpu.memref_slice %arg8[%dma_wait3A_135, %dma_wait3A_136] : memref<64x129xf32, #tpu.memory_space<vmem>> -> memref<64x128xf32, #tpu.memory_space<vmem>>
          tpu.wait_dma2 semaphore(%arg13 : memref<!tpu.dma_semaphore, #tpu.memory_space<semaphore_mem>>) src(%dma_wait3A_137 : memref<64x128xf32, #tpu.memory_space<vmem>>) dst(%dma_wait3A_134 : memref<64x128xf32, #tpu.memory_space<hbm>>)
        } else {
        }
        %mul3A_110 = arith.constant 128 : i32
        %mul3A_111 = arith.muli %add3A_85, %mul3A_110 : i32
        %dma_start3A = arith.constant 0 : i32
        %dma_start3A_112 = arith.constant 0 : i32
        %dma_start3A_113 = tpu.memref_slice %arg6[%dma_start3A, %dma_start3A_112] : memref<64x129xf32, #tpu.memory_space<vmem>> -> memref<64x128xf32, #tpu.memory_space<vmem>>
        %dma_start3A_114 = arith.constant 0 : i32
        %dma_start3A_115 = tpu.memref_slice %arg2[%dma_start3A_114, %mul3A_111] : memref<64x1000000xf32, #tpu.memory_space<hbm>> -> memref<64x128xf32, #tpu.memory_space<hbm>>
        %dma_start3A_116 = arith.constant 0 : i32
        %dma_start3A_117 = arith.constant 0 : i32
        %dma_start3A_118 = tpu.memref_slice %arg6[%dma_start3A_116, %dma_start3A_117] : memref<64x129xf32, #tpu.memory_space<vmem>> -> memref<64x128xf32, #tpu.memory_space<vmem>>
        %dma_start3A_119 = arith.constant 0 : i32
        %dma_start3A_120 = tpu.memref_slice %arg2[%dma_start3A_119, %mul3A_111] : memref<64x1000000xf32, #tpu.memory_space<hbm>> -> memref<64x128xf32, #tpu.memory_space<hbm>>
        tpu.enqueue_dma source(%dma_start3A_120 : memref<64x128xf32, #tpu.memory_space<hbm>>) target(%dma_start3A_118 : memref<64x128xf32, #tpu.memory_space<vmem>>) target_semaphore(%arg11 : memref<!tpu.dma_semaphore, #tpu.memory_space<semaphore_mem>>)
      } else {
      }
      %lt3A_96 = arith.constant 7812 : i32
      %lt3A_97 = arith.cmpi slt, %add3A_78, %lt3A_96 : i32
      %convert_element_type3A_98 = arith.extui %lt3A_97 : i1 to i32
      %cond3A_99 = arith.constant 0 : i32
      %cond3A_100 = arith.cmpi ne, %convert_element_type3A_98, %cond3A_99 : i32
      scf.if %cond3A_100 {
        %mul3A_106 = arith.constant 128 : i32
        %mul3A_107 = arith.muli %add3A_78, %mul3A_106 : i32
        %dma_wait3A = arith.constant 0 : i32
        %dma_wait3A_108 = arith.constant 0 : i32
        %dma_wait3A_109 = tpu.memref_slice %arg5[%dma_wait3A, %dma_wait3A_108] : memref<64x129xf32, #tpu.memory_space<vmem>> -> memref<64x128xf32, #tpu.memory_space<vmem>>
        %dma_wait3A_110 = arith.constant 0 : i32
        %dma_wait3A_111 = tpu.memref_slice %arg2[%dma_wait3A_110, %mul3A_107] : memref<64x1000000xf32, #tpu.memory_space<hbm>> -> memref<64x128xf32, #tpu.memory_space<hbm>>
        %dma_wait3A_112 = arith.constant 0 : i32
        %dma_wait3A_113 = arith.constant 0 : i32
        %dma_wait3A_114 = tpu.memref_slice %arg5[%dma_wait3A_112, %dma_wait3A_113] : memref<64x129xf32, #tpu.memory_space<vmem>> -> memref<64x128xf32, #tpu.memory_space<vmem>>
        %dma_wait3A_115 = arith.constant 0 : i32
        %dma_wait3A_116 = tpu.memref_slice %arg2[%dma_wait3A_115, %mul3A_107] : memref<64x1000000xf32, #tpu.memory_space<hbm>> -> memref<64x128xf32, #tpu.memory_space<hbm>>
        tpu.wait_dma2 semaphore(%arg10 : memref<!tpu.dma_semaphore, #tpu.memory_space<semaphore_mem>>) src(%dma_wait3A_116 : memref<64x128xf32, #tpu.memory_space<hbm>>) dst(%dma_wait3A_114 : memref<64x128xf32, #tpu.memory_space<vmem>>)
        %scan3A_117 = arith.constant 0 : i32
        %scan3A_118 = arith.constant 0 : i32
        %scan3A_119 = arith.constant 64 : i32
        %scan3A_120 = arith.addi %scan3A_118, %scan3A_119 : i32
        %scan3A_121 = arith.constant 1 : i32
        scf.for %scan3A_134 = %scan3A_118 to %scan3A_120 step %scan3A_121  : i32 {
          %add3A_135 = vector.broadcast %scan3A_134 : i32 to vector<16xi32>
          %add3A_136 = arith.addi %mul3A_5, %add3A_135 : vector<16xi32>
          %get3A = arith.index_cast %scan3A_134 : i32 to index
          %get3A_137 = arith.constant 0 : index
          %get3A_138 = tpu.vector_load %arg5[%get3A, %get3A_137] {strides = array<i32>} : memref<64x129xf32, #tpu.memory_space<vmem>>, vector<16xf32>,
          tpu.vector_store_idx %arg7[%shift_right_logical3A_10, %add3A_136], %get3A_138 : memref<64x129xf32, #tpu.memory_space<vmem>>[vector<16xi32>, vector<16xi32>], vector<16xf32>,
          %get3A_139 = arith.index_cast %scan3A_134 : i32 to index
          %get3A_140 = arith.constant 16 : index
          %get3A_141 = tpu.vector_load %arg5[%get3A_139, %get3A_140] {strides = array<i32>} : memref<64x129xf32, #tpu.memory_space<vmem>>, vector<16xf32>,
          tpu.vector_store_idx %arg7[%shift_right_logical3A_16, %add3A_136], %get3A_141 : memref<64x129xf32, #tpu.memory_space<vmem>>[vector<16xi32>, vector<16xi32>], vector<16xf32>,
          %get3A_142 = arith.index_cast %scan3A_134 : i32 to index
          %get3A_143 = arith.constant 32 : index
          %get3A_144 = tpu.vector_load %arg5[%get3A_142, %get3A_143] {strides = array<i32>} : memref<64x129xf32, #tpu.memory_space<vmem>>, vector<16xf32>,
          tpu.vector_store_idx %arg7[%shift_right_logical3A_22, %add3A_136], %get3A_144 : memref<64x129xf32, #tpu.memory_space<vmem>>[vector<16xi32>, vector<16xi32>], vector<16xf32>,
          %get3A_145 = arith.index_cast %scan3A_134 : i32 to index
          %get3A_146 = arith.constant 48 : index
          %get3A_147 = tpu.vector_load %arg5[%get3A_145, %get3A_146] {strides = array<i32>} : memref<64x129xf32, #tpu.memory_space<vmem>>, vector<16xf32>,
          tpu.vector_store_idx %arg7[%shift_right_logical3A_28, %add3A_136], %get3A_147 : memref<64x129xf32, #tpu.memory_space<vmem>>[vector<16xi32>, vector<16xi32>], vector<16xf32>,
          %get3A_148 = arith.index_cast %scan3A_134 : i32 to index
          %get3A_149 = arith.constant 64 : index
          %get3A_150 = tpu.vector_load %arg5[%get3A_148, %get3A_149] {strides = array<i32>} : memref<64x129xf32, #tpu.memory_space<vmem>>, vector<16xf32>,
          tpu.vector_store_idx %arg7[%shift_right_logical3A_34, %add3A_136], %get3A_150 : memref<64x129xf32, #tpu.memory_space<vmem>>[vector<16xi32>, vector<16xi32>], vector<16xf32>,
          %get3A_151 = arith.index_cast %scan3A_134 : i32 to index
          %get3A_152 = arith.constant 80 : index
          %get3A_153 = tpu.vector_load %arg5[%get3A_151, %get3A_152] {strides = array<i32>} : memref<64x129xf32, #tpu.memory_space<vmem>>, vector<16xf32>,
          tpu.vector_store_idx %arg7[%shift_right_logical3A_40, %add3A_136], %get3A_153 : memref<64x129xf32, #tpu.memory_space<vmem>>[vector<16xi32>, vector<16xi32>], vector<16xf32>,
          %get3A_154 = arith.index_cast %scan3A_134 : i32 to index
          %get3A_155 = arith.constant 96 : index
          %get3A_156 = tpu.vector_load %arg5[%get3A_154, %get3A_155] {strides = array<i32>} : memref<64x129xf32, #tpu.memory_space<vmem>>, vector<16xf32>,
          tpu.vector_store_idx %arg7[%shift_right_logical3A_46, %add3A_136], %get3A_156 : memref<64x129xf32, #tpu.memory_space<vmem>>[vector<16xi32>, vector<16xi32>], vector<16xf32>,
          %get3A_157 = arith.index_cast %scan3A_134 : i32 to index
          %get3A_158 = arith.constant 112 : index
          %get3A_159 = tpu.vector_load %arg5[%get3A_157, %get3A_158] {strides = array<i32>} : memref<64x129xf32, #tpu.memory_space<vmem>>, vector<16xf32>,
          tpu.vector_store_idx %arg7[%shift_right_logical3A_52, %add3A_136], %get3A_159 : memref<64x129xf32, #tpu.memory_space<vmem>>[vector<16xi32>, vector<16xi32>], vector<16xf32>,
        }
        %scan3A_122 = arith.constant 64 : i32
        %mul3A_123 = arith.constant 64 : i32
        %mul3A_124 = arith.muli %add3A_78, %mul3A_123 : i32
        %dma_start3A = arith.constant 0 : i32
        %dma_start3A_125 = arith.constant 0 : i32
        %dma_start3A_126 = tpu.memref_slice %arg7[%dma_start3A, %dma_start3A_125] : memref<64x129xf32, #tpu.memory_space<vmem>> -> memref<64x128xf32, #tpu.memory_space<vmem>>
        %dma_start3A_127 = arith.constant 0 : i32
        %dma_start3A_128 = tpu.memref_slice %arg4[%mul3A_124, %dma_start3A_127] : memref<500000x128xf32, #tpu.memory_space<hbm>> -> memref<64x128xf32, #tpu.memory_space<hbm>>
        %dma_start3A_129 = arith.constant 0 : i32
        %dma_start3A_130 = tpu.memref_slice %arg4[%mul3A_124, %dma_start3A_129] : memref<500000x128xf32, #tpu.memory_space<hbm>> -> memref<64x128xf32, #tpu.memory_space<hbm>>
        %dma_start3A_131 = arith.constant 0 : i32
        %dma_start3A_132 = arith.constant 0 : i32
        %dma_start3A_133 = tpu.memref_slice %arg7[%dma_start3A_131, %dma_start3A_132] : memref<64x129xf32, #tpu.memory_space<vmem>> -> memref<64x128xf32, #tpu.memory_space<vmem>>
        tpu.enqueue_dma source(%dma_start3A_133 : memref<64x128xf32, #tpu.memory_space<vmem>>) target(%dma_start3A_130 : memref<64x128xf32, #tpu.memory_space<hbm>>) target_semaphore(%arg12 : memref<!tpu.dma_semaphore, #tpu.memory_space<semaphore_mem>>)
      } else {
      }
      %lt3A_101 = arith.constant 7812 : i32
      %lt3A_102 = arith.cmpi slt, %add3A_85, %lt3A_101 : i32
      %convert_element_type3A_103 = arith.extui %lt3A_102 : i1 to i32
      %cond3A_104 = arith.constant 0 : i32
      %cond3A_105 = arith.cmpi ne, %convert_element_type3A_103, %cond3A_104 : i32
      scf.if %cond3A_105 {
        %mul3A_106 = arith.constant 128 : i32
        %mul3A_107 = arith.muli %add3A_85, %mul3A_106 : i32
        %dma_wait3A = arith.constant 0 : i32
        %dma_wait3A_108 = arith.constant 0 : i32
        %dma_wait3A_109 = tpu.memref_slice %arg6[%dma_wait3A, %dma_wait3A_108] : memref<64x129xf32, #tpu.memory_space<vmem>> -> memref<64x128xf32, #tpu.memory_space<vmem>>
        %dma_wait3A_110 = arith.constant 0 : i32
        %dma_wait3A_111 = tpu.memref_slice %arg2[%dma_wait3A_110, %mul3A_107] : memref<64x1000000xf32, #tpu.memory_space<hbm>> -> memref<64x128xf32, #tpu.memory_space<hbm>>
        %dma_wait3A_112 = arith.constant 0 : i32
        %dma_wait3A_113 = arith.constant 0 : i32
        %dma_wait3A_114 = tpu.memref_slice %arg6[%dma_wait3A_112, %dma_wait3A_113] : memref<64x129xf32, #tpu.memory_space<vmem>> -> memref<64x128xf32, #tpu.memory_space<vmem>>
        %dma_wait3A_115 = arith.constant 0 : i32
        %dma_wait3A_116 = tpu.memref_slice %arg2[%dma_wait3A_115, %mul3A_107] : memref<64x1000000xf32, #tpu.memory_space<hbm>> -> memref<64x128xf32, #tpu.memory_space<hbm>>
        tpu.wait_dma2 semaphore(%arg11 : memref<!tpu.dma_semaphore, #tpu.memory_space<semaphore_mem>>) src(%dma_wait3A_116 : memref<64x128xf32, #tpu.memory_space<hbm>>) dst(%dma_wait3A_114 : memref<64x128xf32, #tpu.memory_space<vmem>>)
        %scan3A_117 = arith.constant 0 : i32
        %scan3A_118 = arith.constant 0 : i32
        %scan3A_119 = arith.constant 64 : i32
        %scan3A_120 = arith.addi %scan3A_118, %scan3A_119 : i32
        %scan3A_121 = arith.constant 1 : i32
        scf.for %scan3A_134 = %scan3A_118 to %scan3A_120 step %scan3A_121  : i32 {
          %add3A_135 = vector.broadcast %scan3A_134 : i32 to vector<16xi32>
          %add3A_136 = arith.addi %mul3A_5, %add3A_135 : vector<16xi32>
          %get3A = arith.index_cast %scan3A_134 : i32 to index
          %get3A_137 = arith.constant 0 : index
          %get3A_138 = tpu.vector_load %arg6[%get3A, %get3A_137] {strides = array<i32>} : memref<64x129xf32, #tpu.memory_space<vmem>>, vector<16xf32>,
          tpu.vector_store_idx %arg8[%shift_right_logical3A_10, %add3A_136], %get3A_138 : memref<64x129xf32, #tpu.memory_space<vmem>>[vector<16xi32>, vector<16xi32>], vector<16xf32>,
          %get3A_139 = arith.index_cast %scan3A_134 : i32 to index
          %get3A_140 = arith.constant 16 : index
          %get3A_141 = tpu.vector_load %arg6[%get3A_139, %get3A_140] {strides = array<i32>} : memref<64x129xf32, #tpu.memory_space<vmem>>, vector<16xf32>,
          tpu.vector_store_idx %arg8[%shift_right_logical3A_16, %add3A_136], %get3A_141 : memref<64x129xf32, #tpu.memory_space<vmem>>[vector<16xi32>, vector<16xi32>], vector<16xf32>,
          %get3A_142 = arith.index_cast %scan3A_134 : i32 to index
          %get3A_143 = arith.constant 32 : index
          %get3A_144 = tpu.vector_load %arg6[%get3A_142, %get3A_143] {strides = array<i32>} : memref<64x129xf32, #tpu.memory_space<vmem>>, vector<16xf32>,
          tpu.vector_store_idx %arg8[%shift_right_logical3A_22, %add3A_136], %get3A_144 : memref<64x129xf32, #tpu.memory_space<vmem>>[vector<16xi32>, vector<16xi32>], vector<16xf32>,
          %get3A_145 = arith.index_cast %scan3A_134 : i32 to index
          %get3A_146 = arith.constant 48 : index
          %get3A_147 = tpu.vector_load %arg6[%get3A_145, %get3A_146] {strides = array<i32>} : memref<64x129xf32, #tpu.memory_space<vmem>>, vector<16xf32>,
          tpu.vector_store_idx %arg8[%shift_right_logical3A_28, %add3A_136], %get3A_147 : memref<64x129xf32, #tpu.memory_space<vmem>>[vector<16xi32>, vector<16xi32>], vector<16xf32>,
          %get3A_148 = arith.index_cast %scan3A_134 : i32 to index
          %get3A_149 = arith.constant 64 : index
          %get3A_150 = tpu.vector_load %arg6[%get3A_148, %get3A_149] {strides = array<i32>} : memref<64x129xf32, #tpu.memory_space<vmem>>, vector<16xf32>,
          tpu.vector_store_idx %arg8[%shift_right_logical3A_34, %add3A_136], %get3A_150 : memref<64x129xf32, #tpu.memory_space<vmem>>[vector<16xi32>, vector<16xi32>], vector<16xf32>,
          %get3A_151 = arith.index_cast %scan3A_134 : i32 to index
          %get3A_152 = arith.constant 80 : index
          %get3A_153 = tpu.vector_load %arg6[%get3A_151, %get3A_152] {strides = array<i32>} : memref<64x129xf32, #tpu.memory_space<vmem>>, vector<16xf32>,
          tpu.vector_store_idx %arg8[%shift_right_logical3A_40, %add3A_136], %get3A_153 : memref<64x129xf32, #tpu.memory_space<vmem>>[vector<16xi32>, vector<16xi32>], vector<16xf32>,
          %get3A_154 = arith.index_cast %scan3A_134 : i32 to index
          %get3A_155 = arith.constant 96 : index
          %get3A_156 = tpu.vector_load %arg6[%get3A_154, %get3A_155] {strides = array<i32>} : memref<64x129xf32, #tpu.memory_space<vmem>>, vector<16xf32>,
          tpu.vector_store_idx %arg8[%shift_right_logical3A_46, %add3A_136], %get3A_156 : memref<64x129xf32, #tpu.memory_space<vmem>>[vector<16xi32>, vector<16xi32>], vector<16xf32>,
          %get3A_157 = arith.index_cast %scan3A_134 : i32 to index
          %get3A_158 = arith.constant 112 : index
          %get3A_159 = tpu.vector_load %arg6[%get3A_157, %get3A_158] {strides = array<i32>} : memref<64x129xf32, #tpu.memory_space<vmem>>, vector<16xf32>,
          tpu.vector_store_idx %arg8[%shift_right_logical3A_52, %add3A_136], %get3A_159 : memref<64x129xf32, #tpu.memory_space<vmem>>[vector<16xi32>, vector<16xi32>], vector<16xf32>,
        }
        %scan3A_122 = arith.constant 64 : i32
        %mul3A_123 = arith.constant 64 : i32
        %mul3A_124 = arith.muli %add3A_85, %mul3A_123 : i32
        %dma_start3A = arith.constant 0 : i32
        %dma_start3A_125 = arith.constant 0 : i32
        %dma_start3A_126 = tpu.memref_slice %arg8[%dma_start3A, %dma_start3A_125] : memref<64x129xf32, #tpu.memory_space<vmem>> -> memref<64x128xf32, #tpu.memory_space<vmem>>
        %dma_start3A_127 = arith.constant 0 : i32
        %dma_start3A_128 = tpu.memref_slice %arg4[%mul3A_124, %dma_start3A_127] : memref<500000x128xf32, #tpu.memory_space<hbm>> -> memref<64x128xf32, #tpu.memory_space<hbm>>
        %dma_start3A_129 = arith.constant 0 : i32
        %dma_start3A_130 = tpu.memref_slice %arg4[%mul3A_124, %dma_start3A_129] : memref<500000x128xf32, #tpu.memory_space<hbm>> -> memref<64x128xf32, #tpu.memory_space<hbm>>
        %dma_start3A_131 = arith.constant 0 : i32
        %dma_start3A_132 = arith.constant 0 : i32
        %dma_start3A_133 = tpu.memref_slice %arg8[%dma_start3A_131, %dma_start3A_132] : memref<64x129xf32, #tpu.memory_space<vmem>> -> memref<64x128xf32, #tpu.memory_space<vmem>>
        tpu.enqueue_dma source(%dma_start3A_133 : memref<64x128xf32, #tpu.memory_space<vmem>>) target(%dma_start3A_130 : memref<64x128xf32, #tpu.memory_space<hbm>>) target_semaphore(%arg13 : memref<!tpu.dma_semaphore, #tpu.memory_space<semaphore_mem>>)
      } else {
      }
    }
    %scan3A_57 = arith.constant 123 : i32
    %add3A_58 = arith.constant 7808 : i32
    %add3A_59 = arith.addi %add3A, %add3A_58 : i32
    %add3A_60 = arith.constant 7840 : i32
    %add3A_61 = arith.addi %add3A, %add3A_60 : i32
    %lt3A = arith.constant 7812 : i32
    %lt3A_62 = arith.cmpi slt, %add3A_59, %lt3A : i32
    %convert_element_type3A = arith.extui %lt3A_62 : i1 to i32
    %cond3A = arith.constant 0 : i32
    %cond3A_63 = arith.cmpi ne, %convert_element_type3A, %cond3A : i32
    scf.if %cond3A_63 {
      %mul3A_73 = arith.constant 64 : i32
      %mul3A_74 = arith.muli %add3A_59, %mul3A_73 : i32
      %dma_wait3A = arith.constant 0 : i32
      %dma_wait3A_75 = arith.constant 0 : i32
      %dma_wait3A_76 = tpu.memref_slice %arg7[%dma_wait3A, %dma_wait3A_75] : memref<64x129xf32, #tpu.memory_space<vmem>> -> memref<64x128xf32, #tpu.memory_space<vmem>>
      %dma_wait3A_77 = arith.constant 0 : i32
      %dma_wait3A_78 = tpu.memref_slice %arg4[%mul3A_74, %dma_wait3A_77] : memref<500000x128xf32, #tpu.memory_space<hbm>> -> memref<64x128xf32, #tpu.memory_space<hbm>>
      %dma_wait3A_79 = arith.constant 0 : i32
      %dma_wait3A_80 = tpu.memref_slice %arg4[%mul3A_74, %dma_wait3A_79] : memref<500000x128xf32, #tpu.memory_space<hbm>> -> memref<64x128xf32, #tpu.memory_space<hbm>>
      %dma_wait3A_81 = arith.constant 0 : i32
      %dma_wait3A_82 = arith.constant 0 : i32
      %dma_wait3A_83 = tpu.memref_slice %arg7[%dma_wait3A_81, %dma_wait3A_82] : memref<64x129xf32, #tpu.memory_space<vmem>> -> memref<64x128xf32, #tpu.memory_space<vmem>>
      tpu.wait_dma2 semaphore(%arg12 : memref<!tpu.dma_semaphore, #tpu.memory_space<semaphore_mem>>) src(%dma_wait3A_83 : memref<64x128xf32, #tpu.memory_space<vmem>>) dst(%dma_wait3A_80 : memref<64x128xf32, #tpu.memory_space<hbm>>)
    } else {
    }
    %lt3A_64 = arith.constant 7812 : i32
    %lt3A_65 = arith.cmpi slt, %add3A_61, %lt3A_64 : i32
    %convert_element_type3A_66 = arith.extui %lt3A_65 : i1 to i32
    %cond3A_67 = arith.constant 0 : i32
    %cond3A_68 = arith.cmpi ne, %convert_element_type3A_66, %cond3A_67 : i32
    scf.if %cond3A_68 {
      %mul3A_73 = arith.constant 64 : i32
      %mul3A_74 = arith.muli %add3A_61, %mul3A_73 : i32
      %dma_wait3A = arith.constant 0 : i32
      %dma_wait3A_75 = arith.constant 0 : i32
      %dma_wait3A_76 = tpu.memref_slice %arg8[%dma_wait3A, %dma_wait3A_75] : memref<64x129xf32, #tpu.memory_space<vmem>> -> memref<64x128xf32, #tpu.memory_space<vmem>>
      %dma_wait3A_77 = arith.constant 0 : i32
      %dma_wait3A_78 = tpu.memref_slice %arg4[%mul3A_74, %dma_wait3A_77] : memref<500000x128xf32, #tpu.memory_space<hbm>> -> memref<64x128xf32, #tpu.memory_space<hbm>>
      %dma_wait3A_79 = arith.constant 0 : i32
      %dma_wait3A_80 = tpu.memref_slice %arg4[%mul3A_74, %dma_wait3A_79] : memref<500000x128xf32, #tpu.memory_space<hbm>> -> memref<64x128xf32, #tpu.memory_space<hbm>>
      %dma_wait3A_81 = arith.constant 0 : i32
      %dma_wait3A_82 = arith.constant 0 : i32
      %dma_wait3A_83 = tpu.memref_slice %arg8[%dma_wait3A_81, %dma_wait3A_82] : memref<64x129xf32, #tpu.memory_space<vmem>> -> memref<64x128xf32, #tpu.memory_space<vmem>>
      tpu.wait_dma2 semaphore(%arg13 : memref<!tpu.dma_semaphore, #tpu.memory_space<semaphore_mem>>) src(%dma_wait3A_83 : memref<64x128xf32, #tpu.memory_space<vmem>>) dst(%dma_wait3A_80 : memref<64x128xf32, #tpu.memory_space<hbm>>)
    } else {
    }
    %eq3A = arith.constant 0 : i32
    %eq3A_69 = arith.cmpi eq, %add3A, %eq3A : i32
    %convert_element_type3A_70 = arith.extui %eq3A_69 : i1 to i32
    %cond3A_71 = arith.constant 0 : i32
    %cond3A_72 = arith.cmpi ne, %convert_element_type3A_70, %cond3A_71 : i32
    scf.if %cond3A_72 {
      "tpu.region"() ({
        %run_scoped3A = tpu.sem_alloc : memref<!tpu.dma_semaphore, #tpu.memory_space<semaphore_mem>>
        tpu.enqueue_dma source(%arg3 : memref<64x64xf32, #tpu.memory_space<hbm>>) target(%arg9 : memref<64x64xf32, #tpu.memory_space<vmem>>) target_semaphore(%run_scoped3A : memref<!tpu.dma_semaphore, #tpu.memory_space<semaphore_mem>>)
        tpu.wait_dma2 semaphore(%run_scoped3A : memref<!tpu.dma_semaphore, #tpu.memory_space<semaphore_mem>>) src(%arg3 : memref<64x64xf32, #tpu.memory_space<hbm>>) dst(%arg9 : memref<64x64xf32, #tpu.memory_space<vmem>>)
        tpu.yield
      }) : () -> ()
      %scan3A_73 = arith.constant 0 : i32
      %scan3A_74 = arith.constant 0 : i32
      %scan3A_75 = arith.constant 64 : i32
      %scan3A_76 = arith.addi %scan3A_74, %scan3A_75 : i32
      %scan3A_77 = arith.constant 1 : i32
      scf.for %scan3A_79 = %scan3A_74 to %scan3A_76 step %scan3A_77  : i32 {
        %add3A_80 = vector.broadcast %scan3A_79 : i32 to vector<16xi32>
        %add3A_81 = arith.addi %mul3A_5, %add3A_80 : vector<16xi32>
        %get3A = arith.index_cast %scan3A_79 : i32 to index
        %get3A_82 = arith.constant 0 : index
        %get3A_83 = tpu.vector_load %arg9[%get3A, %get3A_82] {strides = array<i32>} : memref<64x64xf32, #tpu.memory_space<vmem>>, vector<16xf32>,
        tpu.vector_store_idx %arg7[%shift_right_logical3A_10, %add3A_81], %get3A_83 : memref<64x129xf32, #tpu.memory_space<vmem>>[vector<16xi32>, vector<16xi32>], vector<16xf32>,
        %get3A_84 = arith.index_cast %scan3A_79 : i32 to index
        %get3A_85 = arith.constant 16 : index
        %get3A_86 = tpu.vector_load %arg9[%get3A_84, %get3A_85] {strides = array<i32>} : memref<64x64xf32, #tpu.memory_space<vmem>>, vector<16xf32>,
        tpu.vector_store_idx %arg7[%shift_right_logical3A_16, %add3A_81], %get3A_86 : memref<64x129xf32, #tpu.memory_space<vmem>>[vector<16xi32>, vector<16xi32>], vector<16xf32>,
        %get3A_87 = arith.index_cast %scan3A_79 : i32 to index
        %get3A_88 = arith.constant 32 : index
        %get3A_89 = tpu.vector_load %arg9[%get3A_87, %get3A_88] {strides = array<i32>} : memref<64x64xf32, #tpu.memory_space<vmem>>, vector<16xf32>,
        tpu.vector_store_idx %arg7[%shift_right_logical3A_22, %add3A_81], %get3A_89 : memref<64x129xf32, #tpu.memory_space<vmem>>[vector<16xi32>, vector<16xi32>], vector<16xf32>,
        %get3A_90 = arith.index_cast %scan3A_79 : i32 to index
        %get3A_91 = arith.constant 48 : index
        %get3A_92 = tpu.vector_load %arg9[%get3A_90, %get3A_91] {strides = array<i32>} : memref<64x64xf32, #tpu.memory_space<vmem>>, vector<16xf32>,
        tpu.vector_store_idx %arg7[%shift_right_logical3A_28, %add3A_81], %get3A_92 : memref<64x129xf32, #tpu.memory_space<vmem>>[vector<16xi32>, vector<16xi32>], vector<16xf32>,
      }
      %scan3A_78 = arith.constant 64 : i32
      "tpu.region"() ({
        %run_scoped3A = tpu.sem_alloc : memref<!tpu.dma_semaphore, #tpu.memory_space<semaphore_mem>>
        %dma_start3A = arith.constant 0 : i32
        %dma_start3A_79 = arith.constant 0 : i32
        %dma_start3A_80 = tpu.memref_slice %arg7[%dma_start3A, %dma_start3A_79] : memref<64x129xf32, #tpu.memory_space<vmem>> -> memref<32x128xf32, #tpu.memory_space<vmem>>
        %dma_start3A_81 = arith.constant 499968 : i32
        %dma_start3A_82 = arith.constant 0 : i32
        %dma_start3A_83 = tpu.memref_slice %arg4[%dma_start3A_81, %dma_start3A_82] : memref<500000x128xf32, #tpu.memory_space<hbm>> -> memref<32x128xf32, #tpu.memory_space<hbm>>
        %dma_start3A_84 = arith.constant 499968 : i32
        %dma_start3A_85 = arith.constant 0 : i32
        %dma_start3A_86 = tpu.memref_slice %arg4[%dma_start3A_84, %dma_start3A_85] : memref<500000x128xf32, #tpu.memory_space<hbm>> -> memref<32x128xf32, #tpu.memory_space<hbm>>
        %dma_start3A_87 = arith.constant 0 : i32
        %dma_start3A_88 = arith.constant 0 : i32
        %dma_start3A_89 = tpu.memref_slice %arg7[%dma_start3A_87, %dma_start3A_88] : memref<64x129xf32, #tpu.memory_space<vmem>> -> memref<32x128xf32, #tpu.memory_space<vmem>>
        tpu.enqueue_dma source(%dma_start3A_89 : memref<32x128xf32, #tpu.memory_space<vmem>>) target(%dma_start3A_86 : memref<32x128xf32, #tpu.memory_space<hbm>>) target_semaphore(%run_scoped3A : memref<!tpu.dma_semaphore, #tpu.memory_space<semaphore_mem>>)
        %dma_wait3A = arith.constant 0 : i32
        %dma_wait3A_90 = arith.constant 0 : i32
        %dma_wait3A_91 = tpu.memref_slice %arg7[%dma_wait3A, %dma_wait3A_90] : memref<64x129xf32, #tpu.memory_space<vmem>> -> memref<32x128xf32, #tpu.memory_space<vmem>>
        %dma_wait3A_92 = arith.constant 499968 : i32
        %dma_wait3A_93 = arith.constant 0 : i32
        %dma_wait3A_94 = tpu.memref_slice %arg4[%dma_wait3A_92, %dma_wait3A_93] : memref<500000x128xf32, #tpu.memory_space<hbm>> -> memref<32x128xf32, #tpu.memory_space<hbm>>
        %dma_wait3A_95 = arith.constant 499968 : i32
        %dma_wait3A_96 = arith.constant 0 : i32
        %dma_wait3A_97 = tpu.memref_slice %arg4[%dma_wait3A_95, %dma_wait3A_96] : memref<500000x128xf32, #tpu.memory_space<hbm>> -> memref<32x128xf32, #tpu.memory_space<hbm>>
        %dma_wait3A_98 = arith.constant 0 : i32
        %dma_wait3A_99 = arith.constant 0 : i32
        %dma_wait3A_100 = tpu.memref_slice %arg7[%dma_wait3A_98, %dma_wait3A_99] : memref<64x129xf32, #tpu.memory_space<vmem>> -> memref<32x128xf32, #tpu.memory_space<vmem>>
        tpu.wait_dma2 semaphore(%run_scoped3A : memref<!tpu.dma_semaphore, #tpu.memory_space<semaphore_mem>>) src(%dma_wait3A_100 : memref<32x128xf32, #tpu.memory_space<vmem>>) dst(%dma_wait3A_97 : memref<32x128xf32, #tpu.memory_space<hbm>>)
        tpu.yield
      }) : () -> ()
    } else {
    }
    return
  }
}

</mosaic_0001>

<sc_bundles>
// kernel: _sc_transpose.3.cloned.1.call-start
scs
__scs_entry_jumppad:
0x0: {  	(pc) =	sbr.rel $0x88, $3  }
0x1: {  	(tag) =	ssettag $0x0;
	lr =	simm.s32 $0x1  }
0x2: {  	[smem:$0x3F9F] =	sst lr;
	_ =	strace $0xD0000000  }
0x3: {  	_ = 	snop  }
0x4: {  	_ = 	snop  }
0x5: {  	_ = 	snop  }
0x6: {  	_ = 	snop  }
0x7: {  	_ = 	snop  }
__scs_overlays_trampoline_lowered:
0x8: {  	[smem:$0x3FAE] =	sst s0  }
0x9: {  	[smem:$0x3FAF] =	sst s1  }
0xa: {  	[smem:$0x3FB0] =	sst s2  }
0xb: {  	[smem:$0x3FB1] =	sst s3  }
0xc: {  	[smem:$0x3FB2] =	sst s4  }
0xd: {  	[smem:$0x3FB3] =	sst s5  }
0xe: {  	[smem:$0x3FB4] =	sst s6  }
0xf: {  	[smem:$0x3FB5] =	sst s7  }
0x10: {  	[smem:$0x3FB6] =	sst s8  }
0x11: {  	[smem:$0x3FB7] =	sst s9;
	s0 =	simm.s32 @!p0 $0x0  }
0x12: {  	s1 =	sld [smem:$0x3F9D];
	s0 =	simm.s32 @p0 $0x1  }
0x13: {  	[smem:$0x3FB8] =	sst s0;
	s0 =	simm.s32 @!p1 $0x0  }
0x14: {  	s2 =	sld [smem:$0x3F9C];
	s0 =	simm.s32 @p1 $0x1  }
0x15: {  	[smem:$0x3FB9] =	sst s0;
	s0 =	simm.s32 @!p2 $0x0  }
0x16: {  	s3 =	sld [smem:$0x3FDB];
	s0 =	simm.s32 @p2 $0x1  }
0x17: {  	s4 =	simm.s32 $0x1BF5;
	[smem:$0x3FBB] =	sst s0  }
0x18: {  	s0 =	sld [smem:$0x3F9E];
	_ =	swait.ge [sflag:s4], $0x0  }
0x19: {  	s7 =	sld [smem:$0x3F9F]  }
0x1a: {  	s8 =	sadd.s32 $0xFFFFE003, lr  }
0x1b: {  	s9 =	sadd.s32 $0xFFFFFEF7, lr;
	s5 =	simm.s32 $0xFFFFFFFF;
	p2 =	slt.u32 s8, $0xFFFFF086  }
0x1c: {  	p1 =	slt.u32 s9, $0xF7A;
	s5 =	simm.s32 @!p2 $0x0  }
0x1d: {  	s5 =	simm.s32 @p1 $0x1;
	p0 =	seq.s32 s7, s2  }
0x1e: {  	s7 =	smul.u32 @!p0 $0xF7A, s2;
	p2 =	seq.s32 @!p0 s5, $0x0  }
0x1f: {  	s9 =	smul.u32 $0xF7A, s1;
	s8 =	simm.s32 @!p0 $0x1BF5;
	p2 =	por !p2, p0  }
0x20: {  	[sflag:s8] =	ssyncset.s32 @!p0 $0xFFFFF086;
	s6 =	sadd.s32 @!p0 s3, s7;
	s7 =	simm.s32 @!p0 $0x108  }
0x21: {  	s3 =	sadd.s32 s3, s9;
	s6 =	sadd.s32 @!p0 $0x88, s6;
	s7 =	simm.s32 @p2 $0x1082  }
0x22: {  	[simem:s7], [sflag:s8] =	dma.local @!p0 [hbm:s6], $0xF7A  }
0x23: {  	s9 =	sor.u32 $0xD0000000, s2;
	s6 =	simm.s32 $0x108;
	_ =	swait.ge @!p0 [sflag:s8], $0x0  }
0x24: {  	s3 =	sadd.s32 $0x88, s3;
	s6 =	simm.s32 @!p1 $0x1082;
	[sflag:s4] =	ssyncset.s32 $0xFFFFF086  }
0x25: {  	[simem:s6], [sflag:s4] =	dma.local [hbm:s3], $0xF7A  }
0x26: {  	[smem:$0x3F9F] =	sst s1;
	(tag) =	ssettag s2;
	_ =	strace s9  }
0x27: {  	s1 =	sld [smem:$0x3FAF]  }
0x28: {  	s2 =	sld [smem:$0x3FB0]  }
0x29: {  	s4 =	sld [smem:$0x3FB2]  }
0x2a: {  	p0 =	seq.s32 s5, $0x0;
	s5 =	sld [smem:$0x3FB3]  }
0x2b: {  	s6 =	sld [smem:$0x3FB4]  }
0x2c: {  	s7 =	sld [smem:$0x3FB5]  }
0x2d: {  	s3 =	simm.s32 $0x108;
	s8 =	sld [smem:$0x3FB6]  }
0x2e: {  	s3 =	simm.s32 @!p0 $0x1082;
	s9 =	sld [smem:$0x3FB7]  }
0x2f: {  	lr =	sadd.s32 s0, s3;
	s0 =	sld [smem:$0x3FAE]  }
0x30: {  	s3 =	sld [smem:$0x3FB1]  }
0x31: {  	[smem:$0x3FBA] =	sst s10  }
0x32: {  	s10 =	sld [smem:$0x3FB8];
	_ =	sdelay $0x3  }
0x33: {  	p0 =	seq.s32 s10, $0x1;
	s10 =	sld [smem:$0x3FBA];
	_ =	sdelay $0x3  }
0x34: {  	[smem:$0x3FBA] =	sst s10  }
0x35: {  	s10 =	sld [smem:$0x3FB9];
	_ =	sdelay $0x3  }
0x36: {  	p1 =	seq.s32 s10, $0x1;
	s10 =	sld [smem:$0x3FBA];
	_ =	sdelay $0x3  }
0x37: {  	[smem:$0x3FBA] =	sst s10  }
0x38: {  	s10 =	sld [smem:$0x3FBB]  }
0x39: {  	_ = 	snop;
	(pc) =	sbr.ind lr, $3  }
0x3a: {  	_ = 	snop  }
0x3b: {  	_ = 	snop  }
0x3c: {  	p2 =	seq.s32 s10, $0x1;
	s10 =	sld [smem:$0x3FBA]  }
0x3d: {  	_ =	shalt  }
0x3e: {  	_ =	shalt  }
0x3f: {  	_ =	shalt  }
0x40: {  	_ =	shalt  }
0x41: {  	_ =	shalt  }
0x42: {  	_ =	shalt  }
0x43: {  	_ =	shalt  }
0x44: {  	_ =	shalt  }
0x45: {  	_ =	shalt  }
0x46: {  	_ =	shalt  }
0x47: {  	_ =	shalt  }
0x48: {  	_ =	shalt  }
0x49: {  	_ =	shalt  }
0x4a: {  	_ =	shalt  }
0x4b: {  	_ =	shalt  }
0x4c: {  	_ =	shalt  }
0x4d: {  	_ =	shalt  }
0x4e: {  	_ =	shalt  }
0x4f: {  	_ =	shalt  }
0x50: {  	_ =	shalt  }
0x51: {  	_ =	shalt  }
0x52: {  	_ =	shalt  }
0x53: {  	_ =	shalt  }
0x54: {  	_ =	shalt  }
0x55: {  	_ =	shalt  }
0x56: {  	_ =	shalt  }
0x57: {  	_ =	shalt  }
0x58: {  	_ =	shalt  }
0x59: {  	_ =	shalt  }
0x5a: {  	_ =	shalt  }
0x5b: {  	_ =	shalt  }
0x5c: {  	_ =	shalt  }
0x5d: {  	_ =	shalt  }
0x5e: {  	_ =	shalt  }
0x5f: {  	_ =	shalt  }
0x60: {  	_ =	shalt  }
0x61: {  	_ =	shalt  }
0x62: {  	_ =	shalt  }
0x63: {  	_ =	shalt  }
0x64: {  	_ =	shalt  }
0x65: {  	_ =	shalt  }
0x66: {  	_ =	shalt  }
0x67: {  	_ =	shalt  }
0x68: {  	_ =	shalt  }
0x69: {  	_ =	shalt  }
0x6a: {  	_ =	shalt  }
0x6b: {  	_ =	shalt  }
0x6c: {  	_ =	shalt  }
0x6d: {  	_ =	shalt  }
0x6e: {  	_ =	shalt  }
0x6f: {  	_ =	shalt  }
0x70: {  	_ =	shalt  }
0x71: {  	_ =	shalt  }
0x72: {  	_ =	shalt  }
0x73: {  	_ =	shalt  }
0x74: {  	_ =	shalt  }
0x75: {  	_ =	shalt  }
0x76: {  	_ =	shalt  }
0x77: {  	_ =	shalt  }
0x78: {  	_ =	shalt  }
0x79: {  	_ =	shalt  }
0x7a: {  	_ =	shalt  }
0x7b: {  	_ =	shalt  }
0x7c: {  	_ =	shalt  }
0x7d: {  	_ =	shalt  }
0x7e: {  	_ =	shalt  }
0x7f: {  	_ =	shalt  }
0x80: {  	_ =	shalt  }
0x81: {  	_ =	shalt  }
0x82: {  	_ =	shalt  }
0x83: {  	_ =	shalt  }
0x84: {  	_ =	shalt  }
0x85: {  	_ =	shalt  }
0x86: {  	_ =	shalt  }
0x87: {  	_ =	shalt  }
.Lfunc_end0:
.L_simem_size_0:
called_computation_lowered:
.L_overlay_start_0:
0x88: {  	s2 =	sld [smem:$0x3FD9]  }
0x89: {  	s3 =	sld [smem:$0x3FFE];
	_ =	sdelay $0x1  }
0x8a: {  	s1 =	srdreg.scid  }
0x8b: {  	s0 =	sand.u32 $0x1, s1  }
0x8c: {  	s18 =	sshll.u32 s0, $0xA;
	s2 =	sadd.s32 s3, s2  }
0x8d: {  	s2 =	sadd.s32 s2, s18  }
0x8e: {  	[smem:$0x3FC6] =	sst s2  }
0x8f: {  	_ = 	snop  }
0x90: {  	s2 =	sld [smem:$0x3FC9]  }
0x91: {  	s19 =	sld [smem:$0x3FC8]  }
0x92: {  	s4 =	sld [smem:$0x3FD0];
	(tm) =	ssettm $0x1  }
0x93: {  	s5 =	sld [smem:$0x3FFB];
	_ =	sdelay $0x3  }
0x94: {  	_ =	strace s5  }
0x95: {  	s5 =	sld [smem:$0x3FFC];
	_ =	sdelay $0x3  }
0x96: {  	_ =	strace s5  }
0x97: {  	s5 =	sld [smem:$0x3FFD];
	_ =	sdelay $0x3  }
0x98: {  	_ =	strace s5  }
0x99: {  	_ =	strace $0x8FFFFFFF  }
0x9a: {  	s20 =	sld [smem:$0x3FDB];
	_ =	sdelay $0x1  }
0x9b: {  	s6 =	simm.s32 $_scs_section_size  }
0x9c: {  	s7 =	simm.s32 $_size__tile_overlayer_lowered;
	s8 =	simm.s32 $_tile_overlayer_lowered  }
0x9d: {  	s23 =	simm.s32 $0x1BFF;
	s22 =	sshll.u32 s8, $0x1;
	s5 =	sadd.s32 s6, s20  }
0x9e: {  	s9 =	simm.s32 $0x0;
	s21 =	sshll.u32 s7, $0x1;
	s7 =	sadd.s32 s22, s5  }
0x9f: {  	[timem:s9], [sflag:s23] =	dma.local [hbm:s7], s21  }
0xa0: {  	_ =	swait.ge [sflag:s23], s21  }
0xa1: {  	s6 =	ssub.s32 $0x0, s21;
	[sflag:s23] =	ssyncset.done $0x0  }
0xa2: {  	[sflag:s23] =	ssyncadd.s32 s6;
	_ =	sdelay $0x1  }
0xa3: {  	s24 =	simm.s32 $0x1B8B  }
0xa4: {  	_ =	swait.ge [sflag:s24], $0x1  }
0xa5: {  	[sflag:s24] =	ssyncset.done $0x0  }
0xa6: {  	s25 =	simm.s32 $0x1B8E;
	[sflag:s24] =	ssyncadd.s32 $0xFFFFFFFF  }
0xa7: {  	s26 =	simm.s32 $execute0_lowered;
	[smem:$0x3FD2] =	sst s25  }
0xa8: {  	s6 =	sshll.u32 s26, $0x1;
	_ =	strace $0x80000046;
	[dreg:$0x1] =	wrdreg $0xFFFFFFFF  }
0xa9: {  	s28 =	simm.s32 $_size_execute0_lowered;
	s5 =	sadd.s32 s5, s6;
	[dreg:$0x0] =	wrdreg $0x0  }
0xaa: {  	s6 =	sshll.u32 s28, $0x1;
	[dreg:$0x2] =	wrdreg s5  }
0xab: {  	[dreg:$0x3] =	wrdreg s6  }
0xac: {  	[dreg:$0x4] =	wrdreg $0xC0  }
0xad: {  	_ =	task [dreg:s9], $0x5FFFF  }
0xae: {  	[dreg:$0x1] =	wrdreg $0xFFFFFFFF  }
0xaf: {  	[dreg:$0x0] =	wrdreg $0x60  }
0xb0: {  	[dreg:$0x2] =	wrdreg s2  }
0xb1: {  	[dreg:$0x3] =	wrdreg s19  }
0xb2: {  	[dreg:$0x4] =	wrdreg s4  }
0xb3: {  	[dreg:$0x5] =	wrdreg $0x9  }
0xb4: {  	_ =	task.clear_ibuf [dreg:s9], $0x6FFFF;
	_ =	strace $0x90000046  }
0xb5: {  	s29 =	simm.s32 $0x9;
	_ =	strace $0x80000048  }
0xb6: {  	_ =	swait.ge [sflag:s29], $0x1  }
0xb7: {  	[sflag:s29] =	ssyncadd.s32 $0xFFFFFFFF  }
0xb8: {  	_ =	strace $0x90000048  }
0xb9: {  	_ =	sfence  }
0xba: {  	s30 =	sld [smem:$0x0];
	_ =	sdelay $0x2  }
0xbb: {  	s31 =	sshll.u32 s1, $0xD;
	s1 =	sshrl.u32 s1, $0x2  }
0xbc: {  	s3 =	sand.u32 $0x4000, s31;
	s1 =	sadd.s32 s1, s30  }
0xbd: {  	s0 =	sor.u32 s3, s0;
	s1 =	sshll.u32 s1, $0x11  }
0xbe: {  	s0 =	sor.u32 s1, s0  }
0xbf: {  	s0 =	sadd.s32 $0x8F2B, s0  }
0xc0: {  	[sflag:s0] =	ssyncadd.remote.s32 $0x1  }
0xc1: {  	_ =	sfence.sel $0xFFFF  }
0xc2: {  	[dreg:$0x0] =	wrdreg $0xFFFFFFFF;
	(pc) =	sbr.abs _section_cstart, $3  }
0xc3: {  	[dreg:$0x1] =	wrdreg $0xFFFFFFFF  }
0xc4: {  	_ =	task.clear_ibuf [dreg:s9], $0x2FFFF;
	_ =	strace $0x9FFFFFFF  }
0xc5: {  	(tm) =	ssettm $0x7FFFFFFF  }
tec
execute0_lowered:
.L_overlay_start_1:
0x0: {  	(tag) =	ssettag $0x1  }
0x1: {  	s1 =	rddreg [dreg:$0x0]  }
0x2: {  	s0 =	srdreg.scid;
	s3 =	rddreg [dreg:$0x2]  }
0x3: {  	s5 =	simm.s32 $0x0;
	s7 =	stileid.u32;
	s9 =	simm.s32 $0x800  }
0x4: {  	s10 =	simm.s32 $0x1000;
	s11 =	simm.s32 $0x1800;
	s12 =	simm.s32 $0x2000  }
0x5: {  	s13 =	simm.s32 $0x2800;
	s14 =	simm.s32 $0x3000;
	s15 =	simm.s32 $0x3800  }
0x6: {  	s16 =	simm.s32 $0x1;
	s17 =	simm.s32 $0x8000;
	s18 =	simm.s32 $0x8800  }
0x7: {  	s19 =	simm.s32 $0x9000;
	s20 =	simm.s32 $0x9800;
	s21 =	simm.s32 $0xA000  }
0x8: {  	s22 =	simm.s32 $0xA800;
	s23 =	simm.s32 $0xB000;
	s24 =	simm.s32 $0xB800  }
0x9: {  	v0 =	vlaneseq.u32;
	s25 =	simm.s32 $0x2;
	s26 =	simm.s32 $0xC000;
	s0 =	sand.u32 $0x1, s0  }
.Ltmp0:
0xa: {  	[smem:$0x7FF] =	sst s5;
	v0 =	vmul.u32 $0x40, v0;
	s2 =	ssub.s32 $0x2, s0;
	(pc) =	sbr.rel .LBB2_1-.Ltmp0, $4  }
0xb: {  	s29 =	sshll.u32 s7, $0x1;
	s30 =	sadd.s32 $0x7A1000, s3;
	s4 =	sshrl.u32 s2, $0x1  }
0xc: {  	p0 =	sgt.u32 s7, $0x1;
	_ =	strace $0x80000047;
	v1 =	vor.u32 $0x800, v0;
	s2 =	ssub.s32 s2, s4  }
0xd: {  	s6 =	sor.u32 s0, s29;
	[dreg:$0x4] =	wrdreg s30;
	v2 =	vor.u32 $0x1000, v0;
	v3 =	vor.u32 $0x1800, v0;
	v4 =	vor.u32 $0x2000, v0;
	s31 =	smax.u32 s2, $0x1  }
0xe: {  	s7 =	simm.s32 $0x0;
	p1 =	sne.s32 s6, $0x0;
	v5 =	vor.u32 $0x2800, v0;
	v6 =	vor.u32 $0x3000, v0;
	v7 =	vor.u32 $0x3800, v0;
	[dreg:$0x5] =	wrdreg s31  }
.LBB2_10:
.Ltmp1:
0xf: {  	(pc) =	sbr.rel @!p1 .LBB2_11-.Ltmp1, $4  }
0x10: {  	s0 =	simm.s32 @!p0 $0x3  }
0x11: {  	_ =	swait.ge @!p0 [sflag:s0], $0x2000  }
0x12: {  	[sflag:s0] =	ssyncset.done @!p0 $0x0  }
0x13: {  	s7 =	rddreg [dreg:$0x6];
	[sflag:s0] =	ssyncadd.s32 @!p0 $0xFFFFE000  }
.LBB2_14:
0x14: {  	s7 =	sadd.s32 $0x1, s7;
	s0 =	rddreg [dreg:$0x5]  }
0x15: {  	p2 =	sne.s32 s7, s0  }
.Ltmp2:
0x16: {  	_ = 	snop;
	(pc) =	sbr.rel @!p2 .LBB2_15-.Ltmp2, $1  }
0x17: {  	_ =	sdelay $0x3  }
.LBB2_1:
.Ltmp3:
0x18: {  	(pc) =	sbr.rel .LBB2_2-.Ltmp3, $2  }
0x19: {  	_ =	sdelay $0x2  }
0x1a: {  	[dreg:$0x6] =	wrdreg s7;
	s7 =	simm.s32 $0x0  }
.LBB2_9:
0x1b: {  	s7 =	sadd.s32 $0x1, s7  }
0x1c: {  	p2 =	sne.s32 s7, $0x7B  }
.Ltmp4:
0x1d: {  	_ = 	snop;
	(pc) =	sbr.rel @!p2 .LBB2_10-.Ltmp4, $1  }
0x1e: {  	_ =	sdelay $0x3  }
.LBB2_2:
0x1f: {  	s0 =	sshll.u32 s7, $0x6  }
0x20: {  	s29 =	sor.u32 s6, s0  }
0x21: {  	p2 =	sgt.u32 s29, $0x1E83  }
.Ltmp5:
0x22: {  	_ = 	snop;
	(pc) =	sbr.rel @p2 .LBB2_9-.Ltmp5, $1  }
0x23: {  	_ =	sdelay $0x3  }
0x24: {  	p2 =	seq.s32 s7, $0x0  }
0x25: {  	s0 =	simm.s32 @!p2 $0x3  }
0x26: {  	_ =	swait.ge @!p2 [sflag:s0], $0x2000  }
0x27: {  	s2 =	sshll.u32 s29, $0x7;
	[sflag:s0] =	ssyncset.done @!p2 $0x0  }
0x28: {  	[sflag:s0] =	ssyncadd.s32 @!p2 $0xFFFFE000;
	s0 =	sadd.s32 s1, s2  }
0x29: {  	[tilespmem:s5], [sflag:$0x1] =	stream.linear.gather [hbm4b:s0+s5], $0x400, $0x38;
	[tilespmem:$0x12000] =	vst v63  }
0x2a: {  	s2 =	sadd.s32 $0xF4280, s0  }
0x2b: {  	[tilespmem:s9], [sflag:$0x1] =	stream.linear.gather [hbm4b:s2+s5], $0x400, $0x38;
	[tilespmem:$0x12000] =	vst v63  }
0x2c: {  	s8 =	sadd.s32 $0x1E8500, s0  }
0x2d: {  	[tilespmem:s10], [sflag:$0x1] =	stream.linear.gather [hbm4b:s8+s5], $0x400, $0x38;
	[tilespmem:$0x12000] =	vst v63  }
0x2e: {  	s4 =	sadd.s32 $0x2DC780, s0  }
0x2f: {  	[tilespmem:s11], [sflag:$0x1] =	stream.linear.gather [hbm4b:s4+s5], $0x400, $0x38;
	[tilespmem:$0x12000] =	vst v63  }
0x30: {  	s28 =	sor.u32 $0x20, s29;
	s8 =	sadd.s32 $0x3D0A00, s0  }
0x31: {  	[tilespmem:s12], [sflag:$0x1] =	stream.linear.gather [hbm4b:s8+s5], $0x400, $0x38;
	[tilespmem:$0x12000] =	vst v63  }
0x32: {  	p2 =	sgt.u32 s28, $0x1E83;
	s4 =	sadd.s32 $0x4C4C80, s0  }
0x33: {  	[tilespmem:s13], [sflag:$0x1] =	stream.linear.gather [hbm4b:s4+s5], $0x400, $0x38;
	[tilespmem:$0x12000] =	vst v63  }
0x34: {  	p3 =	seq.s32 @!p2 s7, $0x0;
	s8 =	sadd.s32 $0x5B8F00, s0  }
0x35: {  	[tilespmem:s14], [sflag:$0x1] =	stream.linear.gather [hbm4b:s8+s5], $0x400, $0x38;
	[tilespmem:$0x12000] =	vst v63  }
0x36: {  	p3 =	por p3, p2;
	s0 =	sadd.s32 $0x6AD180, s0  }
0x37: {  	[tilespmem:s15], [sflag:$0x1] =	stream.linear.gather [hbm4b:s0+s5], $0x400, $0x38;
	[tilespmem:$0x12000] =	vst v63  }
0x38: {  	s0 =	simm.s32 @!p3 $0x4  }
0x39: {  	_ =	swait.ge @!p3 [sflag:s0], $0x2000  }
0x3a: {  	[sflag:s0] =	ssyncset.done @!p3 $0x0  }
0x3b: {  	[sflag:s0] =	ssyncadd.s32 @!p3 $0xFFFFE000;
	s0 =	sshll.u32 @!p2 s28, $0x7  }
0x3c: {  	s2 =	simm.s32 @!p2 $0x0;
	s4 =	simm.s32 @!p2 $0x4000;
	s0 =	sadd.s32 @!p2 s1, s0  }
0x3d: {  	[tilespmem:s4], [sflag:$0x2] =	stream.linear.gather @!p2 [hbm4b:s0+s2], $0x400, $0x38;
	[tilespmem:$0x12000] =	vst v63  }
0x3e: {  	s8 =	simm.s32 @!p2 $0x4800;
	s4 =	sadd.s32 @!p2 $0xF4280, s0  }
0x3f: {  	[tilespmem:s8], [sflag:$0x2] =	stream.linear.gather @!p2 [hbm4b:s4+s2], $0x400, $0x38;
	[tilespmem:$0x12000] =	vst v63  }
0x40: {  	s4 =	sadd.s32 @!p2 $0x1E8500, s0;
	s8 =	simm.s32 @!p2 $0x5000  }
0x41: {  	[tilespmem:s8], [sflag:$0x2] =	stream.linear.gather @!p2 [hbm4b:s4+s2], $0x400, $0x38;
	[tilespmem:$0x12000] =	vst v63  }
0x42: {  	s4 =	sadd.s32 @!p2 $0x2DC780, s0;
	s8 =	simm.s32 @!p2 $0x5800  }
0x43: {  	[tilespmem:s8], [sflag:$0x2] =	stream.linear.gather @!p2 [hbm4b:s4+s2], $0x400, $0x38;
	[tilespmem:$0x12000] =	vst v63  }
0x44: {  	s4 =	sadd.s32 @!p2 $0x3D0A00, s0;
	s8 =	simm.s32 @!p2 $0x6000  }
0x45: {  	[tilespmem:s8], [sflag:$0x2] =	stream.linear.gather @!p2 [hbm4b:s4+s2], $0x400, $0x38;
	[tilespmem:$0x12000] =	vst v63  }
0x46: {  	s4 =	sadd.s32 @!p2 $0x4C4C80, s0;
	s8 =	simm.s32 @!p2 $0x6800  }
0x47: {  	[tilespmem:s8], [sflag:$0x2] =	stream.linear.gather @!p2 [hbm4b:s4+s2], $0x400, $0x38;
	[tilespmem:$0x12000] =	vst v63  }
0x48: {  	s4 =	sadd.s32 @!p2 $0x5B8F00, s0;
	s8 =	simm.s32 @!p2 $0x7000  }
0x49: {  	[tilespmem:s8], [sflag:$0x2] =	stream.linear.gather @!p2 [hbm4b:s4+s2], $0x400, $0x38;
	[tilespmem:$0x12000] =	vst v63  }
0x4a: {  	s0 =	sadd.s32 @!p2 $0x6AD180, s0;
	s4 =	simm.s32 @!p2 $0x7800  }
0x4b: {  	[tilespmem:s4], [sflag:$0x2] =	stream.linear.gather @!p2 [hbm4b:s0+s2], $0x400, $0x38;
	[tilespmem:$0x12000] =	vst v63  }
0x4c: {  	s2 =	simm.s32 $0x0;
	_ =	swait.ge [sflag:s16], $0x2000  }
0x4d: {  	s4 =	sand.u32 $0x3800, s2;
	s8 =	sand.u32 $0x380, s2;
	[sflag:s16] =	ssyncset.done $0x0  }
0x4e: {  	s4 =	sor.u32 s8, s4;
	[sflag:s16] =	ssyncadd.s32 $0xFFFFE000  }
0x4f: {  	v9 =	vor.u32 s2, v0;
	v8 =	vld [tilespmem:s4+$0x0];
	_ =	sdelay $0x4  }
0x50: {  	[tilespmem:v9+s17+$0x0] =	vst.idx.msk $0xffff, v8  }
0x51: {  	v9 =	vor.u32 s2, v1;
	v8 =	vld [tilespmem:s4+$0x10];
	_ =	sdelay $0x4  }
0x52: {  	[tilespmem:v9+s17+$0x0] =	vst.idx.msk $0xffff, v8  }
0x53: {  	v9 =	vor.u32 s2, v2;
	v8 =	vld [tilespmem:s4+$0x20];
	_ =	sdelay $0x4  }
0x54: {  	[tilespmem:v9+s17+$0x0] =	vst.idx.msk $0xffff, v8  }
0x55: {  	v9 =	vor.u32 s2, v3;
	v8 =	vld [tilespmem:s4+$0x30];
	_ =	sdelay $0x4  }
0x56: {  	[tilespmem:v9+s17+$0x0] =	vst.idx.msk $0xffff, v8  }
0x57: {  	v9 =	vor.u32 s2, v4;
	v8 =	vld [tilespmem:s4+$0x40];
	_ =	sdelay $0x4  }
0x58: {  	[tilespmem:v9+s17+$0x0] =	vst.idx.msk $0xffff, v8  }
0x59: {  	v9 =	vor.u32 s2, v5;
	v8 =	vld [tilespmem:s4+$0x50];
	_ =	sdelay $0x4  }
0x5a: {  	[tilespmem:v9+s17+$0x0] =	vst.idx.msk $0xffff, v8  }
0x5b: {  	v9 =	vor.u32 s2, v6;
	v8 =	vld [tilespmem:s4+$0x60];
	_ =	sdelay $0x4  }
0x5c: {  	[tilespmem:v9+s17+$0x0] =	vst.idx.msk $0xffff, v8  }
0x5d: {  	v9 =	vor.u32 s2, v7;
	v8 =	vld [tilespmem:s4+$0x70];
	_ =	sdelay $0x2  }
0x5e: {  	s30 =	simm.s32 $0x1;
	s31 =	simm.s32 $0x80;
	s0 =	simm.s32 $0x100  }
0x5f: {  	s8 =	sand.u32 $0x380, s31;
	s2 =	sand.u32 $0x3800, s0;
	s4 =	simm.s32 $0x2  }
.LBB2_4:
0x60: {  	p3 =	sne.s32 s4, $0x3F;
	s2 =	sor.u32 s8, s2;
	[tilespmem:v9+s17+$0x0] =	vst.idx.msk $0xffff, v8  }
0x61: {  	v9 =	vor.u32 s30, v0;
	v8 =	vld [tilespmem:s2+$0x0];
	_ =	sdelay $0x4  }
0x62: {  	[tilespmem:v9+s17+$0x0] =	vst.idx.msk $0xffff, v8  }
0x63: {  	v9 =	vor.u32 s30, v1;
	v8 =	vld [tilespmem:s2+$0x10];
	_ =	sdelay $0x4  }
0x64: {  	[tilespmem:v9+s17+$0x0] =	vst.idx.msk $0xffff, v8  }
0x65: {  	v9 =	vor.u32 s30, v2;
	v8 =	vld [tilespmem:s2+$0x20];
	_ =	sdelay $0x4  }
0x66: {  	[tilespmem:v9+s17+$0x0] =	vst.idx.msk $0xffff, v8  }
0x67: {  	v9 =	vor.u32 s30, v3;
	v8 =	vld [tilespmem:s2+$0x30];
	_ =	sdelay $0x4  }
0x68: {  	[tilespmem:v9+s17+$0x0] =	vst.idx.msk $0xffff, v8  }
0x69: {  	v9 =	vor.u32 s30, v4;
	v8 =	vld [tilespmem:s2+$0x40];
	_ =	sdelay $0x4  }
0x6a: {  	[tilespmem:v9+s17+$0x0] =	vst.idx.msk $0xffff, v8  }
0x6b: {  	v9 =	vor.u32 s30, v5;
	v8 =	vld [tilespmem:s2+$0x50];
	_ =	sdelay $0x4  }
0x6c: {  	[tilespmem:v9+s17+$0x0] =	vst.idx.msk $0xffff, v8  }
0x6d: {  	v9 =	vor.u32 s30, v6;
	v8 =	vld [tilespmem:s2+$0x60];
	_ =	sdelay $0x4  }
0x6e: {  	[tilespmem:v9+s17+$0x0] =	vst.idx.msk $0xffff, v8  }
.Ltmp6:
0x6f: {  	v9 =	vor.u32 s30, v7;
	s30 =	smov.u32 s4;
	v8 =	vld [tilespmem:s2+$0x70];
	(pc) =	sbr.rel @p3 .LBB2_4-.Ltmp6, $3  }
0x70: {  	_ =	sdelay $0x1  }
0x71: {  	s31 =	sadd.s32 $0x80, s31;
	s0 =	sadd.s32 $0x100, s0  }
0x72: {  	s8 =	sand.u32 $0x380, s31;
	s4 =	sadd.s32 $0x1, s4;
	s2 =	sand.u32 $0x3800, s0  }
0x73: {  	_ =	sdelay $0x3  }
0x74: {  	s0 =	sor.u32 s8, s2;
	[tilespmem:v9+s17+$0x0] =	vst.idx.msk $0xffff, v8  }
0x75: {  	v56 =	vor.u32 s30, v0;
	v8 =	vld [tilespmem:s0+$0x0];
	_ =	sdelay $0x4  }
0x76: {  	[tilespmem:v56+s17+$0x0] =	vst.idx.msk $0xffff, v8  }
0x77: {  	v57 =	vor.u32 s30, v1;
	v8 =	vld [tilespmem:s0+$0x10];
	_ =	sdelay $0x4  }
0x78: {  	[tilespmem:v57+s17+$0x0] =	vst.idx.msk $0xffff, v8  }
0x79: {  	v58 =	vor.u32 s30, v2;
	v8 =	vld [tilespmem:s0+$0x20];
	_ =	sdelay $0x4  }
0x7a: {  	[tilespmem:v58+s17+$0x0] =	vst.idx.msk $0xffff, v8  }
0x7b: {  	v59 =	vor.u32 s30, v3;
	v8 =	vld [tilespmem:s0+$0x30];
	_ =	sdelay $0x4  }
0x7c: {  	[tilespmem:v59+s17+$0x0] =	vst.idx.msk $0xffff, v8  }
0x7d: {  	v60 =	vor.u32 s30, v4;
	v8 =	vld [tilespmem:s0+$0x40];
	_ =	sdelay $0x4  }
0x7e: {  	[tilespmem:v60+s17+$0x0] =	vst.idx.msk $0xffff, v8  }
0x7f: {  	v61 =	vor.u32 s30, v5;
	v8 =	vld [tilespmem:s0+$0x50];
	_ =	sdelay $0x4  }
0x80: {  	[tilespmem:v61+s17+$0x0] =	vst.idx.msk $0xffff, v8  }
0x81: {  	v62 =	vor.u32 s30, v6;
	v8 =	vld [tilespmem:s0+$0x60];
	_ =	sdelay $0x4  }
0x82: {  	[tilespmem:v62+s17+$0x0] =	vst.idx.msk $0xffff, v8  }
0x83: {  	v63 =	vor.u32 s30, v7;
	v8 =	vld [tilespmem:s0+$0x70];
	_ =	sdelay $0x3  }
0x84: {  	s30 =	sshll.u32 s29, $0xA  }
0x85: {  	s0 =	sadd.s32 s3, s30;
	[tilespmem:v63+s17+$0x0] =	vst.idx.msk $0xffff, v8  }
0x86: {  	[hbm4b:s0+s5] =	stream.linear.scatter [tilespmem:s17], [sflag:$0x3], $0x400, $0x38;
	[tilespmem:$0x12000] =	vst v63  }
0x87: {  	s31 =	sadd.s32 $0x80, s0  }
0x88: {  	[hbm4b:s31+s5] =	stream.linear.scatter [tilespmem:s18], [sflag:$0x3], $0x400, $0x38;
	[tilespmem:$0x12000] =	vst v63  }
0x89: {  	s4 =	sadd.s32 $0x100, s0  }
0x8a: {  	[hbm4b:s4+s5] =	stream.linear.scatter [tilespmem:s19], [sflag:$0x3], $0x400, $0x38;
	[tilespmem:$0x12000] =	vst v63  }
0x8b: {  	s8 =	sadd.s32 $0x180, s0  }
0x8c: {  	[hbm4b:s8+s5] =	stream.linear.scatter [tilespmem:s20], [sflag:$0x3], $0x400, $0x38;
	[tilespmem:$0x12000] =	vst v63  }
0x8d: {  	s29 =	sadd.s32 $0x200, s0  }
0x8e: {  	[hbm4b:s29+s5] =	stream.linear.scatter [tilespmem:s21], [sflag:$0x3], $0x400, $0x38;
	[tilespmem:$0x12000] =	vst v63  }
0x8f: {  	s30 =	sadd.s32 $0x280, s0  }
0x90: {  	[hbm4b:s30+s5] =	stream.linear.scatter [tilespmem:s22], [sflag:$0x3], $0x400, $0x38;
	[tilespmem:$0x12000] =	vst v63  }
.Ltmp7:
0x91: {  	_ = 	snop;
	(pc) =	sbr.rel @p2 .LBB2_9-.Ltmp7, $4  }
0x92: {  	s31 =	sadd.s32 $0x300, s0  }
0x93: {  	[hbm4b:s31+s5] =	stream.linear.scatter [tilespmem:s23], [sflag:$0x3], $0x400, $0x38;
	[tilespmem:$0x12000] =	vst v63  }
0x94: {  	s0 =	sadd.s32 $0x380, s0  }
0x95: {  	[hbm4b:s0+s5] =	stream.linear.scatter [tilespmem:s24], [sflag:$0x3], $0x400, $0x38;
	[tilespmem:$0x12000] =	vst v63  }
0x96: {  	_ =	swait.ge [sflag:s25], $0x2000;
	s2 =	simm.s32 $0x0  }
0x97: {  	[sflag:s25] =	ssyncset.done $0x0;
	s0 =	sand.u32 $0x3800, s2;
	s4 =	sand.u32 $0x380, s2  }
0x98: {  	[sflag:s25] =	ssyncadd.s32 $0xFFFFE000;
	s4 =	sor.u32 s4, s0  }
0x99: {  	v9 =	vor.u32 s2, v0;
	v8 =	vld [tilespmem:s4+$0x4000];
	_ =	sdelay $0x4  }
0x9a: {  	[tilespmem:v9+s26+$0x0] =	vst.idx.msk $0xffff, v8  }
0x9b: {  	v9 =	vor.u32 s2, v1;
	v8 =	vld [tilespmem:s4+$0x4010];
	_ =	sdelay $0x4  }
0x9c: {  	[tilespmem:v9+s26+$0x0] =	vst.idx.msk $0xffff, v8  }
0x9d: {  	v9 =	vor.u32 s2, v2;
	v8 =	vld [tilespmem:s4+$0x4020];
	_ =	sdelay $0x4  }
0x9e: {  	[tilespmem:v9+s26+$0x0] =	vst.idx.msk $0xffff, v8  }
0x9f: {  	v9 =	vor.u32 s2, v3;
	v8 =	vld [tilespmem:s4+$0x4030];
	_ =	sdelay $0x4  }
0xa0: {  	[tilespmem:v9+s26+$0x0] =	vst.idx.msk $0xffff, v8  }
0xa1: {  	v9 =	vor.u32 s2, v4;
	v8 =	vld [tilespmem:s4+$0x4040];
	_ =	sdelay $0x4  }
0xa2: {  	[tilespmem:v9+s26+$0x0] =	vst.idx.msk $0xffff, v8  }
0xa3: {  	v9 =	vor.u32 s2, v5;
	v8 =	vld [tilespmem:s4+$0x4050];
	_ =	sdelay $0x4  }
0xa4: {  	[tilespmem:v9+s26+$0x0] =	vst.idx.msk $0xffff, v8  }
0xa5: {  	v9 =	vor.u32 s2, v6;
	v8 =	vld [tilespmem:s4+$0x4060];
	_ =	sdelay $0x4  }
0xa6: {  	[tilespmem:v9+s26+$0x0] =	vst.idx.msk $0xffff, v8  }
0xa7: {  	v9 =	vor.u32 s2, v7;
	v8 =	vld [tilespmem:s4+$0x4070];
	_ =	sdelay $0x2  }
0xa8: {  	s29 =	simm.s32 $0x1;
	s30 =	simm.s32 $0x80;
	s0 =	simm.s32 $0x100  }
0xa9: {  	s8 =	sand.u32 $0x380, s30;
	s2 =	sand.u32 $0x3800, s0;
	s4 =	simm.s32 $0x2  }
.LBB2_7:
0xaa: {  	p2 =	sne.s32 s4, $0x3F;
	s2 =	sor.u32 s8, s2;
	[tilespmem:v9+s26+$0x0] =	vst.idx.msk $0xffff, v8  }
0xab: {  	v9 =	vor.u32 s29, v0;
	v8 =	vld [tilespmem:s2+$0x4000];
	_ =	sdelay $0x4  }
0xac: {  	[tilespmem:v9+s26+$0x0] =	vst.idx.msk $0xffff, v8  }
0xad: {  	v9 =	vor.u32 s29, v1;
	v8 =	vld [tilespmem:s2+$0x4010];
	_ =	sdelay $0x4  }
0xae: {  	[tilespmem:v9+s26+$0x0] =	vst.idx.msk $0xffff, v8  }
0xaf: {  	v9 =	vor.u32 s29, v2;
	v8 =	vld [tilespmem:s2+$0x4020];
	_ =	sdelay $0x4  }
0xb0: {  	[tilespmem:v9+s26+$0x0] =	vst.idx.msk $0xffff, v8  }
0xb1: {  	v9 =	vor.u32 s29, v3;
	v8 =	vld [tilespmem:s2+$0x4030];
	_ =	sdelay $0x4  }
0xb2: {  	[tilespmem:v9+s26+$0x0] =	vst.idx.msk $0xffff, v8  }
0xb3: {  	v9 =	vor.u32 s29, v4;
	v8 =	vld [tilespmem:s2+$0x4040];
	_ =	sdelay $0x4  }
0xb4: {  	[tilespmem:v9+s26+$0x0] =	vst.idx.msk $0xffff, v8  }
0xb5: {  	v9 =	vor.u32 s29, v5;
	v8 =	vld [tilespmem:s2+$0x4050];
	_ =	sdelay $0x4  }
0xb6: {  	[tilespmem:v9+s26+$0x0] =	vst.idx.msk $0xffff, v8  }
0xb7: {  	v9 =	vor.u32 s29, v6;
	v8 =	vld [tilespmem:s2+$0x4060];
	_ =	sdelay $0x4  }
0xb8: {  	[tilespmem:v9+s26+$0x0] =	vst.idx.msk $0xffff, v8  }
.Ltmp8:
0xb9: {  	v9 =	vor.u32 s29, v7;
	s29 =	smov.u32 s4;
	v8 =	vld [tilespmem:s2+$0x4070];
	(pc) =	sbr.rel @p2 .LBB2_7-.Ltmp8, $3  }
0xba: {  	_ =	sdelay $0x1  }
0xbb: {  	s30 =	sadd.s32 $0x80, s30;
	s0 =	sadd.s32 $0x100, s0  }
0xbc: {  	s8 =	sand.u32 $0x380, s30;
	s4 =	sadd.s32 $0x1, s4;
	s2 =	sand.u32 $0x3800, s0  }
0xbd: {  	_ =	sdelay $0x3  }
0xbe: {  	s0 =	sor.u32 s8, s2;
	[tilespmem:v9+s26+$0x0] =	vst.idx.msk $0xffff, v8  }
0xbf: {  	v56 =	vor.u32 s29, v0;
	v8 =	vld [tilespmem:s0+$0x4000];
	_ =	sdelay $0x4  }
0xc0: {  	[tilespmem:v56+s26+$0x0] =	vst.idx.msk $0xffff, v8  }
0xc1: {  	v57 =	vor.u32 s29, v1;
	v8 =	vld [tilespmem:s0+$0x4010];
	_ =	sdelay $0x4  }
0xc2: {  	[tilespmem:v57+s26+$0x0] =	vst.idx.msk $0xffff, v8  }
0xc3: {  	v58 =	vor.u32 s29, v2;
	v8 =	vld [tilespmem:s0+$0x4020];
	_ =	sdelay $0x4  }
0xc4: {  	[tilespmem:v58+s26+$0x0] =	vst.idx.msk $0xffff, v8  }
0xc5: {  	v59 =	vor.u32 s29, v3;
	v8 =	vld [tilespmem:s0+$0x4030];
	_ =	sdelay $0x4  }
0xc6: {  	[tilespmem:v59+s26+$0x0] =	vst.idx.msk $0xffff, v8  }
0xc7: {  	v60 =	vor.u32 s29, v4;
	v8 =	vld [tilespmem:s0+$0x4040];
	_ =	sdelay $0x4  }
0xc8: {  	[tilespmem:v60+s26+$0x0] =	vst.idx.msk $0xffff, v8  }
0xc9: {  	v61 =	vor.u32 s29, v5;
	v8 =	vld [tilespmem:s0+$0x4050];
	_ =	sdelay $0x4  }
0xca: {  	[tilespmem:v61+s26+$0x0] =	vst.idx.msk $0xffff, v8  }
0xcb: {  	v62 =	vor.u32 s29, v6;
	v8 =	vld [tilespmem:s0+$0x4060];
	_ =	sdelay $0x4  }
0xcc: {  	[tilespmem:v62+s26+$0x0] =	vst.idx.msk $0xffff, v8  }
0xcd: {  	v63 =	vor.u32 s29, v7;
	v8 =	vld [tilespmem:s0+$0x4070];
	_ =	sdelay $0x3  }
0xce: {  	s30 =	sshll.u32 s28, $0xA  }
0xcf: {  	s0 =	sadd.s32 s3, s30;
	[tilespmem:v63+s26+$0x0] =	vst.idx.msk $0xffff, v8  }
0xd0: {  	[hbm4b:s0+s5] =	stream.linear.scatter [tilespmem:s26], [sflag:$0x4], $0x400, $0x38;
	[tilespmem:$0x12000] =	vst v63  }
0xd1: {  	s4 =	simm.s32 $0xC800;
	s31 =	sadd.s32 $0x80, s0  }
0xd2: {  	[hbm4b:s31+s5] =	stream.linear.scatter [tilespmem:s4], [sflag:$0x4], $0x400, $0x38;
	[tilespmem:$0x12000] =	vst v63  }
0xd3: {  	s8 =	simm.s32 $0xD000;
	s4 =	sadd.s32 $0x100, s0  }
0xd4: {  	[hbm4b:s4+s5] =	stream.linear.scatter [tilespmem:s8], [sflag:$0x4], $0x400, $0x38;
	[tilespmem:$0x12000] =	vst v63  }
0xd5: {  	s29 =	simm.s32 $0xD800;
	s28 =	sadd.s32 $0x180, s0  }
0xd6: {  	[hbm4b:s28+s5] =	stream.linear.scatter [tilespmem:s29], [sflag:$0x4], $0x400, $0x38;
	[tilespmem:$0x12000] =	vst v63  }
0xd7: {  	s30 =	sadd.s32 $0x200, s0;
	s31 =	simm.s32 $0xE000  }
0xd8: {  	[hbm4b:s30+s5] =	stream.linear.scatter [tilespmem:s31], [sflag:$0x4], $0x400, $0x38;
	[tilespmem:$0x12000] =	vst v63  }
0xd9: {  	s8 =	sadd.s32 $0x280, s0;
	s28 =	simm.s32 $0xE800  }
0xda: {  	[hbm4b:s8+s5] =	stream.linear.scatter [tilespmem:s28], [sflag:$0x4], $0x400, $0x38;
	[tilespmem:$0x12000] =	vst v63  }
.Ltmp9:
0xdb: {  	_ = 	snop;
	(pc) =	sbr.rel .LBB2_9-.Ltmp9, $4  }
0xdc: {  	s29 =	sadd.s32 $0x300, s0;
	s30 =	simm.s32 $0xF000  }
0xdd: {  	[hbm4b:s29+s5] =	stream.linear.scatter [tilespmem:s30], [sflag:$0x4], $0x400, $0x38;
	[tilespmem:$0x12000] =	vst v63  }
0xde: {  	s0 =	sadd.s32 $0x380, s0;
	s31 =	simm.s32 $0xF800  }
0xdf: {  	[hbm4b:s0+s5] =	stream.linear.scatter [tilespmem:s31], [sflag:$0x4], $0x400, $0x38;
	[tilespmem:$0x12000] =	vst v63  }
.LBB2_11:
0xe0: {  	s0 =	simm.s32 $0x0  }
0xe1: {  	s2 =	rddreg [dreg:$0x1];
	s4 =	simm.s32 $0x10000;
	s31 =	simm.s32 $0x5  }
0xe2: {  	[tilespmem:s4], [sflag:$0x5] =	stream.linear.gather [hbm4b:s2+s0], $0x2000, $0x38;
	[tilespmem:$0x12000] =	vst v63  }
0xe3: {  	_ =	swait.ge [sflag:s31], $0x2000  }
0xe4: {  	[sflag:s31] =	ssyncset.done $0x0  }
0xe5: {  	s2 =	simm.s32 $0x10020;
	[sflag:s31] =	ssyncadd.s32 $0xFFFFE000  }
0xe6: {  	v9 =	vor.u32 s0, v0;
	s4 =	simm.s32 $0x1;
	v8 =	vld [tilespmem:s2+$0xFFFFFFE0]  }
.LBB2_12:
0xe7: {  	p2 =	sne.s32 s4, $0x3F;
	_ =	sdelay $0x3  }
0xe8: {  	[tilespmem:v9+s17+$0x0] =	vst.idx.msk $0xffff, v8  }
0xe9: {  	v9 =	vor.u32 s0, v1;
	v8 =	vld [tilespmem:s2+$0xFFFFFFF0];
	_ =	sdelay $0x4  }
0xea: {  	[tilespmem:v9+s17+$0x0] =	vst.idx.msk $0xffff, v8  }
0xeb: {  	v9 =	vor.u32 s0, v2;
	v8 =	vld [tilespmem:s2+$0x0];
	_ =	sdelay $0x4  }
0xec: {  	[tilespmem:v9+s17+$0x0] =	vst.idx.msk $0xffff, v8  }
0xed: {  	v9 =	vor.u32 s0, v3;
	s0 =	smov.u32 s4;
	v8 =	vld [tilespmem:s2+$0x10];
	_ =	sdelay $0x1  }
.Ltmp10:
0xee: {  	(pc) =	sbr.rel @p2 .LBB2_12-.Ltmp10, $3  }
0xef: {  	_ =	sdelay $0x1  }
0xf0: {  	s2 =	sadd.s32 $0x80, s2;
	[tilespmem:v9+s17+$0x0] =	vst.idx.msk $0xffff, v8  }
0xf1: {  	s4 =	sadd.s32 $0x1, s4;
	v9 =	vor.u32 s0, v0;
	v8 =	vld [tilespmem:s2+$0xFFFFFFE0]  }
0xf2: {  	_ =	sdelay $0x3  }
0xf3: {  	[tilespmem:v9+s17+$0x0] =	vst.idx.msk $0xffff, v8  }
0xf4: {  	v61 =	vor.u32 s0, v1;
	v8 =	vld [tilespmem:s2+$0xFFFFFFF0];
	_ =	sdelay $0x4  }
0xf5: {  	[tilespmem:v61+s17+$0x0] =	vst.idx.msk $0xffff, v8  }
0xf6: {  	v62 =	vor.u32 s0, v2;
	v8 =	vld [tilespmem:s2+$0x0];
	_ =	sdelay $0x4  }
0xf7: {  	[tilespmem:v62+s17+$0x0] =	vst.idx.msk $0xffff, v8  }
0xf8: {  	v63 =	vor.u32 s0, v3;
	v8 =	vld [tilespmem:s2+$0x10];
	_ =	sdelay $0x4  }
0xf9: {  	s8 =	rddreg [dreg:$0x4];
	[tilespmem:v63+s17+$0x0] =	vst.idx.msk $0xffff, v8  }
0xfa: {  	[hbm4b:s8+s5] =	stream.linear.scatter [tilespmem:s17], [sflag:$0x5], $0x400, $0x38;
	[tilespmem:$0x12000] =	vst v63  }
0xfb: {  	s28 =	sadd.s32 $0x80, s8  }
0xfc: {  	[hbm4b:s28+s5] =	stream.linear.scatter [tilespmem:s18], [sflag:$0x5], $0x400, $0x38;
	[tilespmem:$0x12000] =	vst v63  }
0xfd: {  	s29 =	sadd.s32 $0x100, s8  }
0xfe: {  	[hbm4b:s29+s5] =	stream.linear.scatter [tilespmem:s19], [sflag:$0x5], $0x400, $0x38;
	[tilespmem:$0x12000] =	vst v63  }
.Ltmp11:
0xff: {  	s31 =	simm.s32 $0x5;
	s30 =	sadd.s32 $0x180, s8;
	(pc) =	sbr.rel .LBB2_14-.Ltmp11, $4  }
0x100: {  	[hbm4b:s30+s5] =	stream.linear.scatter [tilespmem:s20], [sflag:$0x5], $0x400, $0x38;
	[tilespmem:$0x12000] =	vst v63  }
0x101: {  	_ =	swait.ge [sflag:s31], $0x1000  }
0x102: {  	[sflag:s31] =	ssyncset.done $0x0  }
0x103: {  	[sflag:s31] =	ssyncadd.s32 $0xFFFFF000  }
.LBB2_15:
0x104: {  	_ =	sfence.sel $0x180000  }
0x105: {  	[bflag:$0x0] =	sbarrier.arrive $0xFFFF  }
0x106: {  	_ =	strace $0x90000047  }
0x107: {  	s0 =	stileid.u32;
	[bflag:$0x2] =	sbarrier.arrive $0xFFFF  }
0x108: {  	p0 =	sne.s32 s0, $0x0;
	s0 =	rddreg [dreg:$0x3]  }
0x109: {  	s0 =	sadd.s32 @!p0 $0x100000, s0  }
0x10a: {  	[sflag:s0] =	ssyncadd.tile.s32 @!p0 $0x1;
	_ =	shalt  }
.Lfunc_end2:
_tile_overlayer_lowered:
.L_overlay_start_2:
0x10b: {  	(tag) =	ssettag $0x2  }
0x10c: {  	s0 =	rddreg [dreg:$0x0];
	s2 =	stileid.u32  }
0x10d: {  	s1 =	rddreg [dreg:$0x1];
	p0 =	sne.s32 s2, $0x0  }
0x10e: {  	s3 =	rddreg [dreg:$0x2];
	[bflag:$0x3] =	sbarrier.arrive $0xFFFF;
	s2 =	simm.s32 @!p0 $0x1C05  }
0x10f: {  	[timem:s3], [sflag:s2] =	dma.local @!p0 [hbm:s0], s1  }
0x110: {  	s0 =	simm.s32 @!p0 $0x5  }
0x111: {  	_ =	swait.ge @!p0 [sflag:s0], s1  }
0x112: {  	s1 =	ssub.s32 @!p0 $0x0, s1;
	[sflag:s0] =	ssyncset.done @!p0 $0x0  }
0x113: {  	[sflag:s0] =	ssyncadd.s32 @!p0 s1  }
0x114: {  	[bflag:$0x3] =	sbarrier.arrive $0xFFFF  }
0x115: {  	_ =	shalt  }

</sc_bundles>
